<compile_context>
chip_gen: v7x
topology: tpu7x:2x2x1
jax: 0.10.2.dev20260603
libtpu: 0.0.44.dev20260713+nightly
codegen_flags: <defaults>
</compile_context>

<pallas_src>
import functools

import jax
import jax.numpy as jnp
from jax import lax
from jax.experimental import pallas as pl
from jax.experimental.pallas import tpu as pltpu
from jax.experimental.pallas import tpu_sc as plsc

NC = 2
NS = 16
NW = NC * NS
LANES = 16


def _make_sc_kernel(n_nodes: int, d_feat: int, n_edges: int, chunk: int):
    assert n_edges % NW == 0
    e_per_w = n_edges // NW
    assert chunk % LANES == 0 and chunk % 8 == 0
    assert chunk <= 128
    n_full = e_per_w // chunk
    tail = e_per_w - n_full * chunk
    assert n_full % 2 == 0 and 0 < tail <= chunk and tail % 8 == 0

    mesh = plsc.VectorSubcoreMesh(
        core_axis_name="c", subcore_axis_name="s",
        num_cores=NC, num_subcores=NS)

    @functools.partial(
        pl.kernel,
        out_type=jax.ShapeDtypeStruct((n_edges,), jnp.float32),
        mesh=mesh,
        compiler_params=pltpu.CompilerParams(needs_layout_passes=False),
        scratch_types=[
            pltpu.VMEM((e_per_w,), jnp.int32),
            pltpu.VMEM((e_per_w,), jnp.int32),
            pltpu.VMEM((2, chunk, d_feat), jnp.float32),
            pltpu.VMEM((2, chunk, d_feat), jnp.float32),
            pltpu.VMEM((e_per_w,), jnp.float32),
            pltpu.SemaphoreType.DMA,
            pltpu.SemaphoreType.DMA,
            pltpu.SemaphoreType.DMA,
            pltpu.SemaphoreType.DMA,
        ],
    )
    def sc_kernel(h_hbm, src_hbm, dst_hbm, out_hbm,
                  idx_s, idx_d, rows_s, rows_d, scores,
                  sem_s0, sem_s1, sem_d0, sem_d1):
        wid = lax.axis_index("s") * NC + lax.axis_index("c")
        lane = lax.broadcasted_iota(jnp.int32, (LANES,), 0)
        sem_s = (sem_s0, sem_s1)
        sem_d = (sem_d0, sem_d1)

        pltpu.sync_copy(src_hbm.at[pl.ds(wid * e_per_w, e_per_w)], idx_s)
        pltpu.sync_copy(dst_hbm.at[pl.ds(wid * e_per_w, e_per_w)], idx_d)

        def issue(step, b):
            pltpu.async_copy(
                h_hbm.at[idx_s.at[pl.ds(step * chunk, chunk)]],
                rows_s.at[b], sem_s[b])
            pltpu.async_copy(
                h_hbm.at[idx_d.at[pl.ds(step * chunk, chunk)]],
                rows_d.at[b], sem_d[b])

        def wait(b):
            pltpu.make_async_copy(
                h_hbm.at[idx_s.at[pl.ds(0, chunk)]], rows_s.at[b],
                sem_s[b]).wait()
            pltpu.make_async_copy(
                h_hbm.at[idx_d.at[pl.ds(0, chunk)]], rows_d.at[b],
                sem_d[b]).wait()

        def issue_tail(b):
            pltpu.async_copy(
                h_hbm.at[idx_s.at[pl.ds(n_full * chunk, tail)]],
                rows_s.at[b].at[pl.ds(0, tail)], sem_s[b])
            pltpu.async_copy(
                h_hbm.at[idx_d.at[pl.ds(n_full * chunk, tail)]],
                rows_d.at[b].at[pl.ds(0, tail)], sem_d[b])

        def wait_tail(b):
            pltpu.make_async_copy(
                h_hbm.at[idx_s.at[pl.ds(0, tail)]],
                rows_s.at[b].at[pl.ds(0, tail)], sem_s[b]).wait()
            pltpu.make_async_copy(
                h_hbm.at[idx_d.at[pl.ds(0, tail)]],
                rows_d.at[b].at[pl.ds(0, tail)], sem_d[b]).wait()

        n_k = d_feat // LANES

        def compute(step, b, width=None):
            base = step * chunk

            @plsc.parallel_loop(0, width or chunk, step=1, unroll=4)
            def eloop(e):
                a0 = rows_s[b, e, pl.ds(0, LANES)] * rows_d[b, e, pl.ds(0, LANES)]
                a1 = (rows_s[b, e, pl.ds(LANES, LANES)]
                      * rows_d[b, e, pl.ds(LANES, LANES)])
                for k in range(2, n_k, 2):
                    a0 = a0 + (rows_s[b, e, pl.ds(k * LANES, LANES)]
                               * rows_d[b, e, pl.ds(k * LANES, LANES)])
                    a1 = a1 + (rows_s[b, e, pl.ds((k + 1) * LANES, LANES)]
                               * rows_d[b, e, pl.ds((k + 1) * LANES, LANES)])
                s = jnp.sum(a0 + a1)
                plsc.store_scatter(
                    scores, [jnp.full((LANES,), base + e, jnp.int32)],
                    jnp.broadcast_to(s, (LANES,)), mask=lane == 0)

        issue(0, 0)

        def pair(t, carry):
            s0 = 2 * t
            issue(s0 + 1, 1)
            wait(0)
            compute(s0, 0)

            @pl.when(s0 + 2 < n_full)
            def _issue_next():
                issue(s0 + 2, 0)

            @pl.when(s0 + 2 == n_full)
            def _issue_tail():
                issue_tail(0)

            wait(1)
            compute(s0 + 1, 1)
            return carry

        lax.fori_loop(0, n_full // 2, pair, 0)
        wait_tail(0)
        compute(n_full, 0, width=tail)

        pltpu.sync_copy(scores, out_hbm.at[pl.ds(wid * e_per_w, e_per_w)])

    return sc_kernel


def kernel(h, edge_index):
    n_nodes, d_feat = h.shape
    n_edges = edge_index.shape[1]
    ei = edge_index.astype(jnp.int32)
    sc = _make_sc_kernel(n_nodes, d_feat, n_edges, chunk=128)
    return sc(h, ei[0], ei[1])

# --- scband reference (transcript-rebuilt; emitter-appended) ---
"""Pipeline reference for scband-dot-predictor-21242908246154 (READ-ONLY COPY).

The authoritative reference and input builder live on the scoring server;
editing this copy changes nothing except your own understanding.
"""

import jax, jax.numpy as jnp
import numpy as np

N_NODES = 10000
N_EDGES = 320000
D_FEAT = 128

def setup_inputs(seed: int = 0) -> dict:
    key = jax.random.key(seed)
    k1, k2 = jax.random.split(key)
    h = jax.random.normal(k1, (N_NODES, D_FEAT), dtype=jnp.float32)
    edge_index = jax.random.randint(k2, (2, N_EDGES), 0, N_NODES, dtype=jnp.int64)
    return {"h": h, "edge_index": edge_index}

def reference(h, edge_index):
    # DGL DotPredictor: for each edge (u, v), score = sum(h[u] * h[v], dim=1)
    src = edge_index[0]
    dst = edge_index[1]
    h_src = jnp.take(h, src, axis=0)  # gather [E, d]
    h_dst = jnp.take(h, dst, axis=0)  # gather [E, d]
    score = jnp.sum(h_src * h_dst, axis=1)  # [E]
    return score

if __name__ == "__main__":
    import jax
    _d = setup_inputs()
    print(jax.jit(kernel)(*tuple(_d.values())))

</pallas_src>

<mosaic_0001>
#map = affine_map<(d0, d1) -> (0, 0)>
#map1 = affine_map<(d0, d1) -> (0)>
module attributes {stable_mosaic.version = 14 : i64} {
  func.func @sc_kernel(%arg0: i32, %arg1: i32, %arg2: memref<10000x128xf32, #tpu.memory_space<hbm>>, %arg3: memref<320000xi32, #tpu.memory_space<hbm>>, %arg4: memref<320000xi32, #tpu.memory_space<hbm>>, %arg5: memref<320000xf32, #tpu.memory_space<hbm>>, %arg6: memref<10000xi32, #tpu.memory_space<vmem>>, %arg7: memref<10000xi32, #tpu.memory_space<vmem>>, %arg8: memref<2x128x128xf32, #tpu.memory_space<vmem>>, %arg9: memref<2x128x128xf32, #tpu.memory_space<vmem>>, %arg10: memref<10000xf32, #tpu.memory_space<vmem>>, %arg11: memref<!tpu.dma_semaphore, #tpu.memory_space<semaphore_mem>>, %arg12: memref<!tpu.dma_semaphore, #tpu.memory_space<semaphore_mem>>, %arg13: memref<!tpu.dma_semaphore, #tpu.memory_space<semaphore_mem>>, %arg14: memref<!tpu.dma_semaphore, #tpu.memory_space<semaphore_mem>>) attributes {dimension_semantics = [#tpu.dimension_semantics<core_parallel>, #tpu.dimension_semantics<subcore_parallel>], iteration_bounds = array<i64: 2, 16>, scalar_prefetch = 0 : i64, scratch_operands = 9 : i64, tpu.core_type = #tpu.core_type<sc_vector_subcore>, window_params = [{transform_indices = #map}, {transform_indices = #map1}, {transform_indices = #map1}, {transform_indices = #map1}]} {
    %mul3A = arith.constant 2 : i32
    %mul3A_0 = arith.muli %arg1, %mul3A : i32
    %add3A = arith.addi %mul3A_0, %arg0 : i32
    %iota3A = tpu.iota {dimensions = array<i32: 0>} : vector<16xi32>
    %mul3A_1 = arith.constant 10000 : i32
    %mul3A_2 = arith.muli %add3A, %mul3A_1 : i32
    "tpu.region"() ({
      %run_scoped3A = tpu.sem_alloc : memref<!tpu.dma_semaphore, #tpu.memory_space<semaphore_mem>>
      %dma_start3A_58 = tpu.memref_slice %arg3[%mul3A_2] : memref<320000xi32, #tpu.memory_space<hbm>> -> memref<10000xi32, #tpu.memory_space<hbm>>
      %dma_start3A_59 = tpu.memref_slice %arg3[%mul3A_2] : memref<320000xi32, #tpu.memory_space<hbm>> -> memref<10000xi32, #tpu.memory_space<hbm>>
      tpu.enqueue_dma source(%dma_start3A_59 : memref<10000xi32, #tpu.memory_space<hbm>>) target(%arg6 : memref<10000xi32, #tpu.memory_space<vmem>>) target_semaphore(%run_scoped3A : memref<!tpu.dma_semaphore, #tpu.memory_space<semaphore_mem>>)
      %dma_wait3A_60 = tpu.memref_slice %arg3[%mul3A_2] : memref<320000xi32, #tpu.memory_space<hbm>> -> memref<10000xi32, #tpu.memory_space<hbm>>
      %dma_wait3A_61 = tpu.memref_slice %arg3[%mul3A_2] : memref<320000xi32, #tpu.memory_space<hbm>> -> memref<10000xi32, #tpu.memory_space<hbm>>
      tpu.wait_dma2 semaphore(%run_scoped3A : memref<!tpu.dma_semaphore, #tpu.memory_space<semaphore_mem>>) src(%dma_wait3A_61 : memref<10000xi32, #tpu.memory_space<hbm>>) dst(%arg6 : memref<10000xi32, #tpu.memory_space<vmem>>)
      tpu.yield
    }) : () -> ()
    %mul3A_3 = arith.constant 10000 : i32
    %mul3A_4 = arith.muli %add3A, %mul3A_3 : i32
    "tpu.region"() ({
      %run_scoped3A = tpu.sem_alloc : memref<!tpu.dma_semaphore, #tpu.memory_space<semaphore_mem>>
      %dma_start3A_58 = tpu.memref_slice %arg4[%mul3A_4] : memref<320000xi32, #tpu.memory_space<hbm>> -> memref<10000xi32, #tpu.memory_space<hbm>>
      %dma_start3A_59 = tpu.memref_slice %arg4[%mul3A_4] : memref<320000xi32, #tpu.memory_space<hbm>> -> memref<10000xi32, #tpu.memory_space<hbm>>
      tpu.enqueue_dma source(%dma_start3A_59 : memref<10000xi32, #tpu.memory_space<hbm>>) target(%arg7 : memref<10000xi32, #tpu.memory_space<vmem>>) target_semaphore(%run_scoped3A : memref<!tpu.dma_semaphore, #tpu.memory_space<semaphore_mem>>)
      %dma_wait3A_60 = tpu.memref_slice %arg4[%mul3A_4] : memref<320000xi32, #tpu.memory_space<hbm>> -> memref<10000xi32, #tpu.memory_space<hbm>>
      %dma_wait3A_61 = tpu.memref_slice %arg4[%mul3A_4] : memref<320000xi32, #tpu.memory_space<hbm>> -> memref<10000xi32, #tpu.memory_space<hbm>>
      tpu.wait_dma2 semaphore(%run_scoped3A : memref<!tpu.dma_semaphore, #tpu.memory_space<semaphore_mem>>) src(%dma_wait3A_61 : memref<10000xi32, #tpu.memory_space<hbm>>) dst(%arg7 : memref<10000xi32, #tpu.memory_space<vmem>>)
      tpu.yield
    }) : () -> ()
    %dma_start3A = arith.constant 0 : i32
    %dma_start3A_5 = arith.constant 0 : i32
    %dma_start3A_6 = arith.constant 0 : i32
    %dma_start3A_7 = tpu.memref_slice %arg8[%dma_start3A, %dma_start3A_5, %dma_start3A_6] : memref<2x128x128xf32, #tpu.memory_space<vmem>> -> memref<1x128x128xf32, #tpu.memory_space<vmem>>
    %dma_start3A_8 = tpu.memref_squeeze %dma_start3A_7 : memref<1x128x128xf32, #tpu.memory_space<vmem>> -> memref<128x128xf32, #tpu.memory_space<vmem>>
    %dma_start3A_9 = arith.constant 0 : i32
    %dma_start3A_10 = tpu.memref_slice %arg6[%dma_start3A_9] : memref<10000xi32, #tpu.memory_space<vmem>> -> memref<128xi32, #tpu.memory_space<vmem>>
    %dma_start3A_11 = arith.constant 0 : i32
    %dma_start3A_12 = arith.constant 0 : i32
    %dma_start3A_13 = tpu.memref_slice %arg2[%dma_start3A_11, %dma_start3A_12] : memref<10000x128xf32, #tpu.memory_space<hbm>> -> memref<10000x128xf32, #tpu.memory_space<hbm>>
    tpu.enqueue_indirect_dma source(%dma_start3A_13 : memref<10000x128xf32, #tpu.memory_space<hbm>>) target(%dma_start3A_8 : memref<128x128xf32, #tpu.memory_space<vmem>>) offsets(%dma_start3A_10 : memref<128xi32, #tpu.memory_space<vmem>>) semaphore(%arg11 : memref<!tpu.dma_semaphore, #tpu.memory_space<semaphore_mem>>)
    %dma_start3A_14 = arith.constant 0 : i32
    %dma_start3A_15 = arith.constant 0 : i32
    %dma_start3A_16 = arith.constant 0 : i32
    %dma_start3A_17 = tpu.memref_slice %arg9[%dma_start3A_14, %dma_start3A_15, %dma_start3A_16] : memref<2x128x128xf32, #tpu.memory_space<vmem>> -> memref<1x128x128xf32, #tpu.memory_space<vmem>>
    %dma_start3A_18 = tpu.memref_squeeze %dma_start3A_17 : memref<1x128x128xf32, #tpu.memory_space<vmem>> -> memref<128x128xf32, #tpu.memory_space<vmem>>
    %dma_start3A_19 = arith.constant 0 : i32
    %dma_start3A_20 = tpu.memref_slice %arg7[%dma_start3A_19] : memref<10000xi32, #tpu.memory_space<vmem>> -> memref<128xi32, #tpu.memory_space<vmem>>
    %dma_start3A_21 = arith.constant 0 : i32
    %dma_start3A_22 = arith.constant 0 : i32
    %dma_start3A_23 = tpu.memref_slice %arg2[%dma_start3A_21, %dma_start3A_22] : memref<10000x128xf32, #tpu.memory_space<hbm>> -> memref<10000x128xf32, #tpu.memory_space<hbm>>
    tpu.enqueue_indirect_dma source(%dma_start3A_23 : memref<10000x128xf32, #tpu.memory_space<hbm>>) target(%dma_start3A_18 : memref<128x128xf32, #tpu.memory_space<vmem>>) offsets(%dma_start3A_20 : memref<128xi32, #tpu.memory_space<vmem>>) semaphore(%arg13 : memref<!tpu.dma_semaphore, #tpu.memory_space<semaphore_mem>>)
    %scan3A = arith.constant 0 : i32
    %scan3A_24 = arith.constant 0 : i32
    %scan3A_25 = arith.constant 39 : i32
    %scan3A_26 = arith.addi %scan3A_24, %scan3A_25 : i32
    %scan3A_27 = arith.constant 1 : i32
    scf.for %scan3A_58 = %scan3A_24 to %scan3A_26 step %scan3A_27  : i32 {
      %mul3A_59 = arith.constant 2 : i32
      %mul3A_60 = arith.muli %mul3A_59, %scan3A_58 : i32
      %add3A_61 = arith.constant 1 : i32
      %add3A_62 = arith.addi %mul3A_60, %add3A_61 : i32
      %mul3A_63 = arith.constant 128 : i32
      %mul3A_64 = arith.muli %add3A_62, %mul3A_63 : i32
      %dma_start3A_65 = arith.constant 1 : i32
      %dma_start3A_66 = arith.constant 0 : i32
      %dma_start3A_67 = arith.constant 0 : i32
      %dma_start3A_68 = tpu.memref_slice %arg8[%dma_start3A_65, %dma_start3A_66, %dma_start3A_67] : memref<2x128x128xf32, #tpu.memory_space<vmem>> -> memref<1x128x128xf32, #tpu.memory_space<vmem>>
      %dma_start3A_69 = tpu.memref_squeeze %dma_start3A_68 : memref<1x128x128xf32, #tpu.memory_space<vmem>> -> memref<128x128xf32, #tpu.memory_space<vmem>>
      %dma_start3A_70 = tpu.memref_slice %arg6[%mul3A_64] : memref<10000xi32, #tpu.memory_space<vmem>> -> memref<128xi32, #tpu.memory_space<vmem>>
      %dma_start3A_71 = arith.constant 0 : i32
      %dma_start3A_72 = arith.constant 0 : i32
      %dma_start3A_73 = tpu.memref_slice %arg2[%dma_start3A_71, %dma_start3A_72] : memref<10000x128xf32, #tpu.memory_space<hbm>> -> memref<10000x128xf32, #tpu.memory_space<hbm>>
      tpu.enqueue_indirect_dma source(%dma_start3A_73 : memref<10000x128xf32, #tpu.memory_space<hbm>>) target(%dma_start3A_69 : memref<128x128xf32, #tpu.memory_space<vmem>>) offsets(%dma_start3A_70 : memref<128xi32, #tpu.memory_space<vmem>>) semaphore(%arg12 : memref<!tpu.dma_semaphore, #tpu.memory_space<semaphore_mem>>)
      %mul3A_74 = arith.constant 128 : i32
      %mul3A_75 = arith.muli %add3A_62, %mul3A_74 : i32
      %dma_start3A_76 = arith.constant 1 : i32
      %dma_start3A_77 = arith.constant 0 : i32
      %dma_start3A_78 = arith.constant 0 : i32
      %dma_start3A_79 = tpu.memref_slice %arg9[%dma_start3A_76, %dma_start3A_77, %dma_start3A_78] : memref<2x128x128xf32, #tpu.memory_space<vmem>> -> memref<1x128x128xf32, #tpu.memory_space<vmem>>
      %dma_start3A_80 = tpu.memref_squeeze %dma_start3A_79 : memref<1x128x128xf32, #tpu.memory_space<vmem>> -> memref<128x128xf32, #tpu.memory_space<vmem>>
      %dma_start3A_81 = tpu.memref_slice %arg7[%mul3A_75] : memref<10000xi32, #tpu.memory_space<vmem>> -> memref<128xi32, #tpu.memory_space<vmem>>
      %dma_start3A_82 = arith.constant 0 : i32
      %dma_start3A_83 = arith.constant 0 : i32
      %dma_start3A_84 = tpu.memref_slice %arg2[%dma_start3A_82, %dma_start3A_83] : memref<10000x128xf32, #tpu.memory_space<hbm>> -> memref<10000x128xf32, #tpu.memory_space<hbm>>
      tpu.enqueue_indirect_dma source(%dma_start3A_84 : memref<10000x128xf32, #tpu.memory_space<hbm>>) target(%dma_start3A_80 : memref<128x128xf32, #tpu.memory_space<vmem>>) offsets(%dma_start3A_81 : memref<128xi32, #tpu.memory_space<vmem>>) semaphore(%arg14 : memref<!tpu.dma_semaphore, #tpu.memory_space<semaphore_mem>>)
      %dma_wait3A_85 = arith.constant 0 : i32
      %dma_wait3A_86 = arith.constant 0 : i32
      %dma_wait3A_87 = arith.constant 0 : i32
      %dma_wait3A_88 = tpu.memref_slice %arg8[%dma_wait3A_85, %dma_wait3A_86, %dma_wait3A_87] : memref<2x128x128xf32, #tpu.memory_space<vmem>> -> memref<1x128x128xf32, #tpu.memory_space<vmem>>
      %dma_wait3A_89 = tpu.memref_squeeze %dma_wait3A_88 : memref<1x128x128xf32, #tpu.memory_space<vmem>> -> memref<128x128xf32, #tpu.memory_space<vmem>>
      %dma_wait3A_90 = arith.constant 0 : i32
      %dma_wait3A_91 = tpu.memref_slice %arg6[%dma_wait3A_90] : memref<10000xi32, #tpu.memory_space<vmem>> -> memref<128xi32, #tpu.memory_space<vmem>>
      %dma_wait3A_92 = arith.constant 0 : i32
      %dma_wait3A_93 = arith.constant 0 : i32
      %dma_wait3A_94 = tpu.memref_slice %arg2[%dma_wait3A_92, %dma_wait3A_93] : memref<10000x128xf32, #tpu.memory_space<hbm>> -> memref<10000x128xf32, #tpu.memory_space<hbm>>
      tpu.wait_indirect_dma semaphore(%arg11 : memref<!tpu.dma_semaphore, #tpu.memory_space<semaphore_mem>>) src(%dma_wait3A_94 : memref<10000x128xf32, #tpu.memory_space<hbm>>) dst(%dma_wait3A_89 : memref<128x128xf32, #tpu.memory_space<vmem>>)
      %dma_wait3A_95 = arith.constant 0 : i32
      %dma_wait3A_96 = arith.constant 0 : i32
      %dma_wait3A_97 = arith.constant 0 : i32
      %dma_wait3A_98 = tpu.memref_slice %arg9[%dma_wait3A_95, %dma_wait3A_96, %dma_wait3A_97] : memref<2x128x128xf32, #tpu.memory_space<vmem>> -> memref<1x128x128xf32, #tpu.memory_space<vmem>>
      %dma_wait3A_99 = tpu.memref_squeeze %dma_wait3A_98 : memref<1x128x128xf32, #tpu.memory_space<vmem>> -> memref<128x128xf32, #tpu.memory_space<vmem>>
      %dma_wait3A_100 = arith.constant 0 : i32
      %dma_wait3A_101 = tpu.memref_slice %arg7[%dma_wait3A_100] : memref<10000xi32, #tpu.memory_space<vmem>> -> memref<128xi32, #tpu.memory_space<vmem>>
      %dma_wait3A_102 = arith.constant 0 : i32
      %dma_wait3A_103 = arith.constant 0 : i32
      %dma_wait3A_104 = tpu.memref_slice %arg2[%dma_wait3A_102, %dma_wait3A_103] : memref<10000x128xf32, #tpu.memory_space<hbm>> -> memref<10000x128xf32, #tpu.memory_space<hbm>>
      tpu.wait_indirect_dma semaphore(%arg13 : memref<!tpu.dma_semaphore, #tpu.memory_space<semaphore_mem>>) src(%dma_wait3A_104 : memref<10000x128xf32, #tpu.memory_space<hbm>>) dst(%dma_wait3A_99 : memref<128x128xf32, #tpu.memory_space<vmem>>)
      %mul3A_105 = arith.constant 128 : i32
      %mul3A_106 = arith.muli %mul3A_60, %mul3A_105 : i32
      %parallel_loop3A_107 = arith.constant 0 : i32
      %parallel_loop3A_108 = arith.constant 128 : i32
      %parallel_loop3A_109 = arith.constant 1 : i32
      scf.for %parallel_loop3A_147 = %parallel_loop3A_107 to %parallel_loop3A_108 step %parallel_loop3A_109  : i32 {
        %parallel_loop3A_148 = arith.constant 0 : i32
        %parallel_loop3A_149 = arith.index_cast %parallel_loop3A_148 : i32 to index
        %parallel_loop3A_150 = arith.index_cast %parallel_loop3A_147 : i32 to index
        %parallel_loop3A_151 = arith.constant 0 : index
        %parallel_loop3A_152 = tpu.vector_load %arg8[%parallel_loop3A_149, %parallel_loop3A_150, %parallel_loop3A_151] {strides = array<i32>} : memref<2x128x128xf32, #tpu.memory_space<vmem>>, vector<16xf32>,
        %parallel_loop3A_153 = arith.constant 0 : i32
        %parallel_loop3A_154 = arith.index_cast %parallel_loop3A_153 : i32 to index
        %parallel_loop3A_155 = arith.index_cast %parallel_loop3A_147 : i32 to index
        %parallel_loop3A_156 = arith.constant 0 : index
        %parallel_loop3A_157 = tpu.vector_load %arg9[%parallel_loop3A_154, %parallel_loop3A_155, %parallel_loop3A_156] {strides = array<i32>} : memref<2x128x128xf32, #tpu.memory_space<vmem>>, vector<16xf32>,
        %parallel_loop3A_158 = arith.mulf %parallel_loop3A_152, %parallel_loop3A_157 : vector<16xf32>
        %parallel_loop3A_159 = arith.constant 0 : i32
        %parallel_loop3A_160 = arith.index_cast %parallel_loop3A_159 : i32 to index
        %parallel_loop3A_161 = arith.index_cast %parallel_loop3A_147 : i32 to index
        %parallel_loop3A_162 = arith.constant 16 : index
        %parallel_loop3A_163 = tpu.vector_load %arg8[%parallel_loop3A_160, %parallel_loop3A_161, %parallel_loop3A_162] {strides = array<i32>} : memref<2x128x128xf32, #tpu.memory_space<vmem>>, vector<16xf32>,
        %parallel_loop3A_164 = arith.constant 0 : i32
        %parallel_loop3A_165 = arith.index_cast %parallel_loop3A_164 : i32 to index
        %parallel_loop3A_166 = arith.index_cast %parallel_loop3A_147 : i32 to index
        %parallel_loop3A_167 = arith.constant 16 : index
        %parallel_loop3A_168 = tpu.vector_load %arg9[%parallel_loop3A_165, %parallel_loop3A_166, %parallel_loop3A_167] {strides = array<i32>} : memref<2x128x128xf32, #tpu.memory_space<vmem>>, vector<16xf32>,
        %parallel_loop3A_169 = arith.mulf %parallel_loop3A_163, %parallel_loop3A_168 : vector<16xf32>
        %parallel_loop3A_170 = arith.constant 0 : i32
        %parallel_loop3A_171 = arith.index_cast %parallel_loop3A_170 : i32 to index
        %parallel_loop3A_172 = arith.index_cast %parallel_loop3A_147 : i32 to index
        %parallel_loop3A_173 = arith.constant 32 : index
        %parallel_loop3A_174 = tpu.vector_load %arg8[%parallel_loop3A_171, %parallel_loop3A_172, %parallel_loop3A_173] {strides = array<i32>} : memref<2x128x128xf32, #tpu.memory_space<vmem>>, vector<16xf32>,
        %parallel_loop3A_175 = arith.constant 0 : i32
        %parallel_loop3A_176 = arith.index_cast %parallel_loop3A_175 : i32 to index
        %parallel_loop3A_177 = arith.index_cast %parallel_loop3A_147 : i32 to index
        %parallel_loop3A_178 = arith.constant 32 : index
        %parallel_loop3A_179 = tpu.vector_load %arg9[%parallel_loop3A_176, %parallel_loop3A_177, %parallel_loop3A_178] {strides = array<i32>} : memref<2x128x128xf32, #tpu.memory_space<vmem>>, vector<16xf32>,
        %parallel_loop3A_180 = arith.mulf %parallel_loop3A_174, %parallel_loop3A_179 : vector<16xf32>
        %parallel_loop3A_181 = arith.addf %parallel_loop3A_158, %parallel_loop3A_180 : vector<16xf32>
        %parallel_loop3A_182 = arith.constant 0 : i32
        %parallel_loop3A_183 = arith.index_cast %parallel_loop3A_182 : i32 to index
        %parallel_loop3A_184 = arith.index_cast %parallel_loop3A_147 : i32 to index
        %parallel_loop3A_185 = arith.constant 48 : index
        %parallel_loop3A_186 = tpu.vector_load %arg8[%parallel_loop3A_183, %parallel_loop3A_184, %parallel_loop3A_185] {strides = array<i32>} : memref<2x128x128xf32, #tpu.memory_space<vmem>>, vector<16xf32>,
        %parallel_loop3A_187 = arith.constant 0 : i32
        %parallel_loop3A_188 = arith.index_cast %parallel_loop3A_187 : i32 to index
        %parallel_loop3A_189 = arith.index_cast %parallel_loop3A_147 : i32 to index
        %parallel_loop3A_190 = arith.constant 48 : index
        %parallel_loop3A_191 = tpu.vector_load %arg9[%parallel_loop3A_188, %parallel_loop3A_189, %parallel_loop3A_190] {strides = array<i32>} : memref<2x128x128xf32, #tpu.memory_space<vmem>>, vector<16xf32>,
        %parallel_loop3A_192 = arith.mulf %parallel_loop3A_186, %parallel_loop3A_191 : vector<16xf32>
        %parallel_loop3A_193 = arith.addf %parallel_loop3A_169, %parallel_loop3A_192 : vector<16xf32>
        %parallel_loop3A_194 = arith.constant 0 : i32
        %parallel_loop3A_195 = arith.index_cast %parallel_loop3A_194 : i32 to index
        %parallel_loop3A_196 = arith.index_cast %parallel_loop3A_147 : i32 to index
        %parallel_loop3A_197 = arith.constant 64 : index
        %parallel_loop3A_198 = tpu.vector_load %arg8[%parallel_loop3A_195, %parallel_loop3A_196, %parallel_loop3A_197] {strides = array<i32>} : memref<2x128x128xf32, #tpu.memory_space<vmem>>, vector<16xf32>,
        %parallel_loop3A_199 = arith.constant 0 : i32
        %parallel_loop3A_200 = arith.index_cast %parallel_loop3A_199 : i32 to index
        %parallel_loop3A_201 = arith.index_cast %parallel_loop3A_147 : i32 to index
        %parallel_loop3A_202 = arith.constant 64 : index
        %parallel_loop3A_203 = tpu.vector_load %arg9[%parallel_loop3A_200, %parallel_loop3A_201, %parallel_loop3A_202] {strides = array<i32>} : memref<2x128x128xf32, #tpu.memory_space<vmem>>, vector<16xf32>,
        %parallel_loop3A_204 = arith.mulf %parallel_loop3A_198, %parallel_loop3A_203 : vector<16xf32>
        %parallel_loop3A_205 = arith.addf %parallel_loop3A_181, %parallel_loop3A_204 : vector<16xf32>
        %parallel_loop3A_206 = arith.constant 0 : i32
        %parallel_loop3A_207 = arith.index_cast %parallel_loop3A_206 : i32 to index
        %parallel_loop3A_208 = arith.index_cast %parallel_loop3A_147 : i32 to index
        %parallel_loop3A_209 = arith.constant 80 : index
        %parallel_loop3A_210 = tpu.vector_load %arg8[%parallel_loop3A_207, %parallel_loop3A_208, %parallel_loop3A_209] {strides = array<i32>} : memref<2x128x128xf32, #tpu.memory_space<vmem>>, vector<16xf32>,
        %parallel_loop3A_211 = arith.constant 0 : i32
        %parallel_loop3A_212 = arith.index_cast %parallel_loop3A_211 : i32 to index
        %parallel_loop3A_213 = arith.index_cast %parallel_loop3A_147 : i32 to index
        %parallel_loop3A_214 = arith.constant 80 : index
        %parallel_loop3A_215 = tpu.vector_load %arg9[%parallel_loop3A_212, %parallel_loop3A_213, %parallel_loop3A_214] {strides = array<i32>} : memref<2x128x128xf32, #tpu.memory_space<vmem>>, vector<16xf32>,
        %parallel_loop3A_216 = arith.mulf %parallel_loop3A_210, %parallel_loop3A_215 : vector<16xf32>
        %parallel_loop3A_217 = arith.addf %parallel_loop3A_193, %parallel_loop3A_216 : vector<16xf32>
        %parallel_loop3A_218 = arith.constant 0 : i32
        %parallel_loop3A_219 = arith.index_cast %parallel_loop3A_218 : i32 to index
        %parallel_loop3A_220 = arith.index_cast %parallel_loop3A_147 : i32 to index
        %parallel_loop3A_221 = arith.constant 96 : index
        %parallel_loop3A_222 = tpu.vector_load %arg8[%parallel_loop3A_219, %parallel_loop3A_220, %parallel_loop3A_221] {strides = array<i32>} : memref<2x128x128xf32, #tpu.memory_space<vmem>>, vector<16xf32>,
        %parallel_loop3A_223 = arith.constant 0 : i32
        %parallel_loop3A_224 = arith.index_cast %parallel_loop3A_223 : i32 to index
        %parallel_loop3A_225 = arith.index_cast %parallel_loop3A_147 : i32 to index
        %parallel_loop3A_226 = arith.constant 96 : index
        %parallel_loop3A_227 = tpu.vector_load %arg9[%parallel_loop3A_224, %parallel_loop3A_225, %parallel_loop3A_226] {strides = array<i32>} : memref<2x128x128xf32, #tpu.memory_space<vmem>>, vector<16xf32>,
        %parallel_loop3A_228 = arith.mulf %parallel_loop3A_222, %parallel_loop3A_227 : vector<16xf32>
        %parallel_loop3A_229 = arith.addf %parallel_loop3A_205, %parallel_loop3A_228 : vector<16xf32>
        %parallel_loop3A_230 = arith.constant 0 : i32
        %parallel_loop3A_231 = arith.index_cast %parallel_loop3A_230 : i32 to index
        %parallel_loop3A_232 = arith.index_cast %parallel_loop3A_147 : i32 to index
        %parallel_loop3A_233 = arith.constant 112 : index
        %parallel_loop3A_234 = tpu.vector_load %arg8[%parallel_loop3A_231, %parallel_loop3A_232, %parallel_loop3A_233] {strides = array<i32>} : memref<2x128x128xf32, #tpu.memory_space<vmem>>, vector<16xf32>,
        %parallel_loop3A_235 = arith.constant 0 : i32
        %parallel_loop3A_236 = arith.index_cast %parallel_loop3A_235 : i32 to index
        %parallel_loop3A_237 = arith.index_cast %parallel_loop3A_147 : i32 to index
        %parallel_loop3A_238 = arith.constant 112 : index
        %parallel_loop3A_239 = tpu.vector_load %arg9[%parallel_loop3A_236, %parallel_loop3A_237, %parallel_loop3A_238] {strides = array<i32>} : memref<2x128x128xf32, #tpu.memory_space<vmem>>, vector<16xf32>,
        %parallel_loop3A_240 = arith.mulf %parallel_loop3A_234, %parallel_loop3A_239 : vector<16xf32>
        %parallel_loop3A_241 = arith.addf %parallel_loop3A_217, %parallel_loop3A_240 : vector<16xf32>
        %parallel_loop3A_242 = arith.addf %parallel_loop3A_229, %parallel_loop3A_241 : vector<16xf32>
        %parallel_loop3A_243 = arith.constant true
        %parallel_loop3A_244 = vector.broadcast %parallel_loop3A_243 : i1 to vector<16xi1>
        %parallel_loop3A_245 = tpu.scan <sum>, %parallel_loop3A_242 masked %parallel_loop3A_244 : vector<16xf32>, vector<16xi1> -> vector<16xf32>
        %parallel_loop3A_246 = vector.extract %parallel_loop3A_245[15] : f32 from vector<16xf32>
        %parallel_loop3A_247 = arith.addi %mul3A_106, %parallel_loop3A_147 : i32
        %parallel_loop3A_248 = vector.broadcast %parallel_loop3A_247 : i32 to vector<16xi32>
        %parallel_loop3A_249 = vector.broadcast %parallel_loop3A_246 : f32 to vector<16xf32>
        %parallel_loop3A_250 = arith.constant 0 : i32
        %parallel_loop3A_251 = vector.broadcast %parallel_loop3A_250 : i32 to vector<16xi32>
        %parallel_loop3A_252 = arith.cmpi eq, %iota3A, %parallel_loop3A_251 : vector<16xi32>
        tpu.vector_store_idx %arg10[%parallel_loop3A_248], %parallel_loop3A_249 masked %parallel_loop3A_252 : memref<10000xf32, #tpu.memory_space<vmem>>[vector<16xi32>], vector<16xf32>, vector<16xi1>
      } {sc.loop_unroll_factor = 4 : i64, sc.parallel_access}
      %add3A_110 = arith.constant 2 : i32
      %add3A_111 = arith.addi %mul3A_60, %add3A_110 : i32
      %lt3A = arith.constant 78 : i32
      %lt3A_112 = arith.cmpi slt, %add3A_111, %lt3A : i32
      %convert_element_type3A = arith.extui %lt3A_112 : i1 to i32
      %cond3A = arith.constant 0 : i32
      %cond3A_113 = arith.cmpi ne, %convert_element_type3A, %cond3A : i32
      scf.if %cond3A_113 {
        %add3A_147 = arith.constant 2 : i32
        %add3A_148 = arith.addi %mul3A_60, %add3A_147 : i32
        %mul3A_149 = arith.constant 128 : i32
        %mul3A_150 = arith.muli %add3A_148, %mul3A_149 : i32
        %dma_start3A_151 = arith.constant 0 : i32
        %dma_start3A_152 = arith.constant 0 : i32
        %dma_start3A_153 = arith.constant 0 : i32
        %dma_start3A_154 = tpu.memref_slice %arg8[%dma_start3A_151, %dma_start3A_152, %dma_start3A_153] : memref<2x128x128xf32, #tpu.memory_space<vmem>> -> memref<1x128x128xf32, #tpu.memory_space<vmem>>
        %dma_start3A_155 = tpu.memref_squeeze %dma_start3A_154 : memref<1x128x128xf32, #tpu.memory_space<vmem>> -> memref<128x128xf32, #tpu.memory_space<vmem>>
        %dma_start3A_156 = tpu.memref_slice %arg6[%mul3A_150] : memref<10000xi32, #tpu.memory_space<vmem>> -> memref<128xi32, #tpu.memory_space<vmem>>
        %dma_start3A_157 = arith.constant 0 : i32
        %dma_start3A_158 = arith.constant 0 : i32
        %dma_start3A_159 = tpu.memref_slice %arg2[%dma_start3A_157, %dma_start3A_158] : memref<10000x128xf32, #tpu.memory_space<hbm>> -> memref<10000x128xf32, #tpu.memory_space<hbm>>
        tpu.enqueue_indirect_dma source(%dma_start3A_159 : memref<10000x128xf32, #tpu.memory_space<hbm>>) target(%dma_start3A_155 : memref<128x128xf32, #tpu.memory_space<vmem>>) offsets(%dma_start3A_156 : memref<128xi32, #tpu.memory_space<vmem>>) semaphore(%arg11 : memref<!tpu.dma_semaphore, #tpu.memory_space<semaphore_mem>>)
        %mul3A_160 = arith.constant 128 : i32
        %mul3A_161 = arith.muli %add3A_148, %mul3A_160 : i32
        %dma_start3A_162 = arith.constant 0 : i32
        %dma_start3A_163 = arith.constant 0 : i32
        %dma_start3A_164 = arith.constant 0 : i32
        %dma_start3A_165 = tpu.memref_slice %arg9[%dma_start3A_162, %dma_start3A_163, %dma_start3A_164] : memref<2x128x128xf32, #tpu.memory_space<vmem>> -> memref<1x128x128xf32, #tpu.memory_space<vmem>>
        %dma_start3A_166 = tpu.memref_squeeze %dma_start3A_165 : memref<1x128x128xf32, #tpu.memory_space<vmem>> -> memref<128x128xf32, #tpu.memory_space<vmem>>
        %dma_start3A_167 = tpu.memref_slice %arg7[%mul3A_161] : memref<10000xi32, #tpu.memory_space<vmem>> -> memref<128xi32, #tpu.memory_space<vmem>>
        %dma_start3A_168 = arith.constant 0 : i32
        %dma_start3A_169 = arith.constant 0 : i32
        %dma_start3A_170 = tpu.memref_slice %arg2[%dma_start3A_168, %dma_start3A_169] : memref<10000x128xf32, #tpu.memory_space<hbm>> -> memref<10000x128xf32, #tpu.memory_space<hbm>>
        tpu.enqueue_indirect_dma source(%dma_start3A_170 : memref<10000x128xf32, #tpu.memory_space<hbm>>) target(%dma_start3A_166 : memref<128x128xf32, #tpu.memory_space<vmem>>) offsets(%dma_start3A_167 : memref<128xi32, #tpu.memory_space<vmem>>) semaphore(%arg13 : memref<!tpu.dma_semaphore, #tpu.memory_space<semaphore_mem>>)
      } else {
      }
      %add3A_114 = arith.constant 2 : i32
      %add3A_115 = arith.addi %mul3A_60, %add3A_114 : i32
      %eq3A = arith.constant 78 : i32
      %eq3A_116 = arith.cmpi eq, %add3A_115, %eq3A : i32
      %convert_element_type3A_117 = arith.extui %eq3A_116 : i1 to i32
      %cond3A_118 = arith.constant 0 : i32
      %cond3A_119 = arith.cmpi ne, %convert_element_type3A_117, %cond3A_118 : i32
      scf.if %cond3A_119 {
        %dma_start3A_147 = arith.constant 0 : i32
        %dma_start3A_148 = arith.constant 0 : i32
        %dma_start3A_149 = arith.constant 0 : i32
        %dma_start3A_150 = tpu.memref_slice %arg8[%dma_start3A_147, %dma_start3A_148, %dma_start3A_149] : memref<2x128x128xf32, #tpu.memory_space<vmem>> -> memref<1x128x128xf32, #tpu.memory_space<vmem>>
        %dma_start3A_151 = tpu.memref_squeeze %dma_start3A_150 : memref<1x128x128xf32, #tpu.memory_space<vmem>> -> memref<128x128xf32, #tpu.memory_space<vmem>>
        %dma_start3A_152 = arith.constant 0 : i32
        %dma_start3A_153 = arith.constant 0 : i32
        %dma_start3A_154 = tpu.memref_slice %dma_start3A_151[%dma_start3A_152, %dma_start3A_153] : memref<128x128xf32, #tpu.memory_space<vmem>> -> memref<16x128xf32, #tpu.memory_space<vmem>>
        %dma_start3A_155 = arith.constant 9984 : i32
        %dma_start3A_156 = tpu.memref_slice %arg6[%dma_start3A_155] : memref<10000xi32, #tpu.memory_space<vmem>> -> memref<16xi32, #tpu.memory_space<vmem>>
        %dma_start3A_157 = arith.constant 0 : i32
        %dma_start3A_158 = arith.constant 0 : i32
        %dma_start3A_159 = tpu.memref_slice %arg2[%dma_start3A_157, %dma_start3A_158] : memref<10000x128xf32, #tpu.memory_space<hbm>> -> memref<10000x128xf32, #tpu.memory_space<hbm>>
        tpu.enqueue_indirect_dma source(%dma_start3A_159 : memref<10000x128xf32, #tpu.memory_space<hbm>>) target(%dma_start3A_154 : memref<16x128xf32, #tpu.memory_space<vmem>>) offsets(%dma_start3A_156 : memref<16xi32, #tpu.memory_space<vmem>>) semaphore(%arg11 : memref<!tpu.dma_semaphore, #tpu.memory_space<semaphore_mem>>)
        %dma_start3A_160 = arith.constant 0 : i32
        %dma_start3A_161 = arith.constant 0 : i32
        %dma_start3A_162 = arith.constant 0 : i32
        %dma_start3A_163 = tpu.memref_slice %arg9[%dma_start3A_160, %dma_start3A_161, %dma_start3A_162] : memref<2x128x128xf32, #tpu.memory_space<vmem>> -> memref<1x128x128xf32, #tpu.memory_space<vmem>>
        %dma_start3A_164 = tpu.memref_squeeze %dma_start3A_163 : memref<1x128x128xf32, #tpu.memory_space<vmem>> -> memref<128x128xf32, #tpu.memory_space<vmem>>
        %dma_start3A_165 = arith.constant 0 : i32
        %dma_start3A_166 = arith.constant 0 : i32
        %dma_start3A_167 = tpu.memref_slice %dma_start3A_164[%dma_start3A_165, %dma_start3A_166] : memref<128x128xf32, #tpu.memory_space<vmem>> -> memref<16x128xf32, #tpu.memory_space<vmem>>
        %dma_start3A_168 = arith.constant 9984 : i32
        %dma_start3A_169 = tpu.memref_slice %arg7[%dma_start3A_168] : memref<10000xi32, #tpu.memory_space<vmem>> -> memref<16xi32, #tpu.memory_space<vmem>>
        %dma_start3A_170 = arith.constant 0 : i32
        %dma_start3A_171 = arith.constant 0 : i32
        %dma_start3A_172 = tpu.memref_slice %arg2[%dma_start3A_170, %dma_start3A_171] : memref<10000x128xf32, #tpu.memory_space<hbm>> -> memref<10000x128xf32, #tpu.memory_space<hbm>>
        tpu.enqueue_indirect_dma source(%dma_start3A_172 : memref<10000x128xf32, #tpu.memory_space<hbm>>) target(%dma_start3A_167 : memref<16x128xf32, #tpu.memory_space<vmem>>) offsets(%dma_start3A_169 : memref<16xi32, #tpu.memory_space<vmem>>) semaphore(%arg13 : memref<!tpu.dma_semaphore, #tpu.memory_space<semaphore_mem>>)
      } else {
      }
      %dma_wait3A_120 = arith.constant 1 : i32
      %dma_wait3A_121 = arith.constant 0 : i32
      %dma_wait3A_122 = arith.constant 0 : i32
      %dma_wait3A_123 = tpu.memref_slice %arg8[%dma_wait3A_120, %dma_wait3A_121, %dma_wait3A_122] : memref<2x128x128xf32, #tpu.memory_space<vmem>> -> memref<1x128x128xf32, #tpu.memory_space<vmem>>
      %dma_wait3A_124 = tpu.memref_squeeze %dma_wait3A_123 : memref<1x128x128xf32, #tpu.memory_space<vmem>> -> memref<128x128xf32, #tpu.memory_space<vmem>>
      %dma_wait3A_125 = arith.constant 0 : i32
      %dma_wait3A_126 = tpu.memref_slice %arg6[%dma_wait3A_125] : memref<10000xi32, #tpu.memory_space<vmem>> -> memref<128xi32, #tpu.memory_space<vmem>>
      %dma_wait3A_127 = arith.constant 0 : i32
      %dma_wait3A_128 = arith.constant 0 : i32
      %dma_wait3A_129 = tpu.memref_slice %arg2[%dma_wait3A_127, %dma_wait3A_128] : memref<10000x128xf32, #tpu.memory_space<hbm>> -> memref<10000x128xf32, #tpu.memory_space<hbm>>
      tpu.wait_indirect_dma semaphore(%arg12 : memref<!tpu.dma_semaphore, #tpu.memory_space<semaphore_mem>>) src(%dma_wait3A_129 : memref<10000x128xf32, #tpu.memory_space<hbm>>) dst(%dma_wait3A_124 : memref<128x128xf32, #tpu.memory_space<vmem>>)
      %dma_wait3A_130 = arith.constant 1 : i32
      %dma_wait3A_131 = arith.constant 0 : i32
      %dma_wait3A_132 = arith.constant 0 : i32
      %dma_wait3A_133 = tpu.memref_slice %arg9[%dma_wait3A_130, %dma_wait3A_131, %dma_wait3A_132] : memref<2x128x128xf32, #tpu.memory_space<vmem>> -> memref<1x128x128xf32, #tpu.memory_space<vmem>>
      %dma_wait3A_134 = tpu.memref_squeeze %dma_wait3A_133 : memref<1x128x128xf32, #tpu.memory_space<vmem>> -> memref<128x128xf32, #tpu.memory_space<vmem>>
      %dma_wait3A_135 = arith.constant 0 : i32
      %dma_wait3A_136 = tpu.memref_slice %arg7[%dma_wait3A_135] : memref<10000xi32, #tpu.memory_space<vmem>> -> memref<128xi32, #tpu.memory_space<vmem>>
      %dma_wait3A_137 = arith.constant 0 : i32
      %dma_wait3A_138 = arith.constant 0 : i32
      %dma_wait3A_139 = tpu.memref_slice %arg2[%dma_wait3A_137, %dma_wait3A_138] : memref<10000x128xf32, #tpu.memory_space<hbm>> -> memref<10000x128xf32, #tpu.memory_space<hbm>>
      tpu.wait_indirect_dma semaphore(%arg14 : memref<!tpu.dma_semaphore, #tpu.memory_space<semaphore_mem>>) src(%dma_wait3A_139 : memref<10000x128xf32, #tpu.memory_space<hbm>>) dst(%dma_wait3A_134 : memref<128x128xf32, #tpu.memory_space<vmem>>)
      %add3A_140 = arith.constant 1 : i32
      %add3A_141 = arith.addi %mul3A_60, %add3A_140 : i32
      %mul3A_142 = arith.constant 128 : i32
      %mul3A_143 = arith.muli %add3A_141, %mul3A_142 : i32
      %parallel_loop3A_144 = arith.constant 0 : i32
      %parallel_loop3A_145 = arith.constant 128 : i32
      %parallel_loop3A_146 = arith.constant 1 : i32
      scf.for %parallel_loop3A_147 = %parallel_loop3A_144 to %parallel_loop3A_145 step %parallel_loop3A_146  : i32 {
        %parallel_loop3A_148 = arith.constant 1 : i32
        %parallel_loop3A_149 = arith.index_cast %parallel_loop3A_148 : i32 to index
        %parallel_loop3A_150 = arith.index_cast %parallel_loop3A_147 : i32 to index
        %parallel_loop3A_151 = arith.constant 0 : index
        %parallel_loop3A_152 = tpu.vector_load %arg8[%parallel_loop3A_149, %parallel_loop3A_150, %parallel_loop3A_151] {strides = array<i32>} : memref<2x128x128xf32, #tpu.memory_space<vmem>>, vector<16xf32>,
        %parallel_loop3A_153 = arith.constant 1 : i32
        %parallel_loop3A_154 = arith.index_cast %parallel_loop3A_153 : i32 to index
        %parallel_loop3A_155 = arith.index_cast %parallel_loop3A_147 : i32 to index
        %parallel_loop3A_156 = arith.constant 0 : index
        %parallel_loop3A_157 = tpu.vector_load %arg9[%parallel_loop3A_154, %parallel_loop3A_155, %parallel_loop3A_156] {strides = array<i32>} : memref<2x128x128xf32, #tpu.memory_space<vmem>>, vector<16xf32>,
        %parallel_loop3A_158 = arith.mulf %parallel_loop3A_152, %parallel_loop3A_157 : vector<16xf32>
        %parallel_loop3A_159 = arith.constant 1 : i32
        %parallel_loop3A_160 = arith.index_cast %parallel_loop3A_159 : i32 to index
        %parallel_loop3A_161 = arith.index_cast %parallel_loop3A_147 : i32 to index
        %parallel_loop3A_162 = arith.constant 16 : index
        %parallel_loop3A_163 = tpu.vector_load %arg8[%parallel_loop3A_160, %parallel_loop3A_161, %parallel_loop3A_162] {strides = array<i32>} : memref<2x128x128xf32, #tpu.memory_space<vmem>>, vector<16xf32>,
        %parallel_loop3A_164 = arith.constant 1 : i32
        %parallel_loop3A_165 = arith.index_cast %parallel_loop3A_164 : i32 to index
        %parallel_loop3A_166 = arith.index_cast %parallel_loop3A_147 : i32 to index
        %parallel_loop3A_167 = arith.constant 16 : index
        %parallel_loop3A_168 = tpu.vector_load %arg9[%parallel_loop3A_165, %parallel_loop3A_166, %parallel_loop3A_167] {strides = array<i32>} : memref<2x128x128xf32, #tpu.memory_space<vmem>>, vector<16xf32>,
        %parallel_loop3A_169 = arith.mulf %parallel_loop3A_163, %parallel_loop3A_168 : vector<16xf32>
        %parallel_loop3A_170 = arith.constant 1 : i32
        %parallel_loop3A_171 = arith.index_cast %parallel_loop3A_170 : i32 to index
        %parallel_loop3A_172 = arith.index_cast %parallel_loop3A_147 : i32 to index
        %parallel_loop3A_173 = arith.constant 32 : index
        %parallel_loop3A_174 = tpu.vector_load %arg8[%parallel_loop3A_171, %parallel_loop3A_172, %parallel_loop3A_173] {strides = array<i32>} : memref<2x128x128xf32, #tpu.memory_space<vmem>>, vector<16xf32>,
        %parallel_loop3A_175 = arith.constant 1 : i32
        %parallel_loop3A_176 = arith.index_cast %parallel_loop3A_175 : i32 to index
        %parallel_loop3A_177 = arith.index_cast %parallel_loop3A_147 : i32 to index
        %parallel_loop3A_178 = arith.constant 32 : index
        %parallel_loop3A_179 = tpu.vector_load %arg9[%parallel_loop3A_176, %parallel_loop3A_177, %parallel_loop3A_178] {strides = array<i32>} : memref<2x128x128xf32, #tpu.memory_space<vmem>>, vector<16xf32>,
        %parallel_loop3A_180 = arith.mulf %parallel_loop3A_174, %parallel_loop3A_179 : vector<16xf32>
        %parallel_loop3A_181 = arith.addf %parallel_loop3A_158, %parallel_loop3A_180 : vector<16xf32>
        %parallel_loop3A_182 = arith.constant 1 : i32
        %parallel_loop3A_183 = arith.index_cast %parallel_loop3A_182 : i32 to index
        %parallel_loop3A_184 = arith.index_cast %parallel_loop3A_147 : i32 to index
        %parallel_loop3A_185 = arith.constant 48 : index
        %parallel_loop3A_186 = tpu.vector_load %arg8[%parallel_loop3A_183, %parallel_loop3A_184, %parallel_loop3A_185] {strides = array<i32>} : memref<2x128x128xf32, #tpu.memory_space<vmem>>, vector<16xf32>,
        %parallel_loop3A_187 = arith.constant 1 : i32
        %parallel_loop3A_188 = arith.index_cast %parallel_loop3A_187 : i32 to index
        %parallel_loop3A_189 = arith.index_cast %parallel_loop3A_147 : i32 to index
        %parallel_loop3A_190 = arith.constant 48 : index
        %parallel_loop3A_191 = tpu.vector_load %arg9[%parallel_loop3A_188, %parallel_loop3A_189, %parallel_loop3A_190] {strides = array<i32>} : memref<2x128x128xf32, #tpu.memory_space<vmem>>, vector<16xf32>,
        %parallel_loop3A_192 = arith.mulf %parallel_loop3A_186, %parallel_loop3A_191 : vector<16xf32>
        %parallel_loop3A_193 = arith.addf %parallel_loop3A_169, %parallel_loop3A_192 : vector<16xf32>
        %parallel_loop3A_194 = arith.constant 1 : i32
        %parallel_loop3A_195 = arith.index_cast %parallel_loop3A_194 : i32 to index
        %parallel_loop3A_196 = arith.index_cast %parallel_loop3A_147 : i32 to index
        %parallel_loop3A_197 = arith.constant 64 : index
        %parallel_loop3A_198 = tpu.vector_load %arg8[%parallel_loop3A_195, %parallel_loop3A_196, %parallel_loop3A_197] {strides = array<i32>} : memref<2x128x128xf32, #tpu.memory_space<vmem>>, vector<16xf32>,
        %parallel_loop3A_199 = arith.constant 1 : i32
        %parallel_loop3A_200 = arith.index_cast %parallel_loop3A_199 : i32 to index
        %parallel_loop3A_201 = arith.index_cast %parallel_loop3A_147 : i32 to index
        %parallel_loop3A_202 = arith.constant 64 : index
        %parallel_loop3A_203 = tpu.vector_load %arg9[%parallel_loop3A_200, %parallel_loop3A_201, %parallel_loop3A_202] {strides = array<i32>} : memref<2x128x128xf32, #tpu.memory_space<vmem>>, vector<16xf32>,
        %parallel_loop3A_204 = arith.mulf %parallel_loop3A_198, %parallel_loop3A_203 : vector<16xf32>
        %parallel_loop3A_205 = arith.addf %parallel_loop3A_181, %parallel_loop3A_204 : vector<16xf32>
        %parallel_loop3A_206 = arith.constant 1 : i32
        %parallel_loop3A_207 = arith.index_cast %parallel_loop3A_206 : i32 to index
        %parallel_loop3A_208 = arith.index_cast %parallel_loop3A_147 : i32 to index
        %parallel_loop3A_209 = arith.constant 80 : index
        %parallel_loop3A_210 = tpu.vector_load %arg8[%parallel_loop3A_207, %parallel_loop3A_208, %parallel_loop3A_209] {strides = array<i32>} : memref<2x128x128xf32, #tpu.memory_space<vmem>>, vector<16xf32>,
        %parallel_loop3A_211 = arith.constant 1 : i32
        %parallel_loop3A_212 = arith.index_cast %parallel_loop3A_211 : i32 to index
        %parallel_loop3A_213 = arith.index_cast %parallel_loop3A_147 : i32 to index
        %parallel_loop3A_214 = arith.constant 80 : index
        %parallel_loop3A_215 = tpu.vector_load %arg9[%parallel_loop3A_212, %parallel_loop3A_213, %parallel_loop3A_214] {strides = array<i32>} : memref<2x128x128xf32, #tpu.memory_space<vmem>>, vector<16xf32>,
        %parallel_loop3A_216 = arith.mulf %parallel_loop3A_210, %parallel_loop3A_215 : vector<16xf32>
        %parallel_loop3A_217 = arith.addf %parallel_loop3A_193, %parallel_loop3A_216 : vector<16xf32>
        %parallel_loop3A_218 = arith.constant 1 : i32
        %parallel_loop3A_219 = arith.index_cast %parallel_loop3A_218 : i32 to index
        %parallel_loop3A_220 = arith.index_cast %parallel_loop3A_147 : i32 to index
        %parallel_loop3A_221 = arith.constant 96 : index
        %parallel_loop3A_222 = tpu.vector_load %arg8[%parallel_loop3A_219, %parallel_loop3A_220, %parallel_loop3A_221] {strides = array<i32>} : memref<2x128x128xf32, #tpu.memory_space<vmem>>, vector<16xf32>,
        %parallel_loop3A_223 = arith.constant 1 : i32
        %parallel_loop3A_224 = arith.index_cast %parallel_loop3A_223 : i32 to index
        %parallel_loop3A_225 = arith.index_cast %parallel_loop3A_147 : i32 to index
        %parallel_loop3A_226 = arith.constant 96 : index
        %parallel_loop3A_227 = tpu.vector_load %arg9[%parallel_loop3A_224, %parallel_loop3A_225, %parallel_loop3A_226] {strides = array<i32>} : memref<2x128x128xf32, #tpu.memory_space<vmem>>, vector<16xf32>,
        %parallel_loop3A_228 = arith.mulf %parallel_loop3A_222, %parallel_loop3A_227 : vector<16xf32>
        %parallel_loop3A_229 = arith.addf %parallel_loop3A_205, %parallel_loop3A_228 : vector<16xf32>
        %parallel_loop3A_230 = arith.constant 1 : i32
        %parallel_loop3A_231 = arith.index_cast %parallel_loop3A_230 : i32 to index
        %parallel_loop3A_232 = arith.index_cast %parallel_loop3A_147 : i32 to index
        %parallel_loop3A_233 = arith.constant 112 : index
        %parallel_loop3A_234 = tpu.vector_load %arg8[%parallel_loop3A_231, %parallel_loop3A_232, %parallel_loop3A_233] {strides = array<i32>} : memref<2x128x128xf32, #tpu.memory_space<vmem>>, vector<16xf32>,
        %parallel_loop3A_235 = arith.constant 1 : i32
        %parallel_loop3A_236 = arith.index_cast %parallel_loop3A_235 : i32 to index
        %parallel_loop3A_237 = arith.index_cast %parallel_loop3A_147 : i32 to index
        %parallel_loop3A_238 = arith.constant 112 : index
        %parallel_loop3A_239 = tpu.vector_load %arg9[%parallel_loop3A_236, %parallel_loop3A_237, %parallel_loop3A_238] {strides = array<i32>} : memref<2x128x128xf32, #tpu.memory_space<vmem>>, vector<16xf32>,
        %parallel_loop3A_240 = arith.mulf %parallel_loop3A_234, %parallel_loop3A_239 : vector<16xf32>
        %parallel_loop3A_241 = arith.addf %parallel_loop3A_217, %parallel_loop3A_240 : vector<16xf32>
        %parallel_loop3A_242 = arith.addf %parallel_loop3A_229, %parallel_loop3A_241 : vector<16xf32>
        %parallel_loop3A_243 = arith.constant true
        %parallel_loop3A_244 = vector.broadcast %parallel_loop3A_243 : i1 to vector<16xi1>
        %parallel_loop3A_245 = tpu.scan <sum>, %parallel_loop3A_242 masked %parallel_loop3A_244 : vector<16xf32>, vector<16xi1> -> vector<16xf32>
        %parallel_loop3A_246 = vector.extract %parallel_loop3A_245[15] : f32 from vector<16xf32>
        %parallel_loop3A_247 = arith.addi %mul3A_143, %parallel_loop3A_147 : i32
        %parallel_loop3A_248 = vector.broadcast %parallel_loop3A_247 : i32 to vector<16xi32>
        %parallel_loop3A_249 = vector.broadcast %parallel_loop3A_246 : f32 to vector<16xf32>
        %parallel_loop3A_250 = arith.constant 0 : i32
        %parallel_loop3A_251 = vector.broadcast %parallel_loop3A_250 : i32 to vector<16xi32>
        %parallel_loop3A_252 = arith.cmpi eq, %iota3A, %parallel_loop3A_251 : vector<16xi32>
        tpu.vector_store_idx %arg10[%parallel_loop3A_248], %parallel_loop3A_249 masked %parallel_loop3A_252 : memref<10000xf32, #tpu.memory_space<vmem>>[vector<16xi32>], vector<16xf32>, vector<16xi1>
      } {sc.loop_unroll_factor = 4 : i64, sc.parallel_access}
    }
    %scan3A_28 = arith.constant 39 : i32
    %dma_wait3A = arith.constant 0 : i32
    %dma_wait3A_29 = arith.constant 0 : i32
    %dma_wait3A_30 = arith.constant 0 : i32
    %dma_wait3A_31 = tpu.memref_slice %arg8[%dma_wait3A, %dma_wait3A_29, %dma_wait3A_30] : memref<2x128x128xf32, #tpu.memory_space<vmem>> -> memref<1x128x128xf32, #tpu.memory_space<vmem>>
    %dma_wait3A_32 = tpu.memref_squeeze %dma_wait3A_31 : memref<1x128x128xf32, #tpu.memory_space<vmem>> -> memref<128x128xf32, #tpu.memory_space<vmem>>
    %dma_wait3A_33 = arith.constant 0 : i32
    %dma_wait3A_34 = arith.constant 0 : i32
    %dma_wait3A_35 = tpu.memref_slice %dma_wait3A_32[%dma_wait3A_33, %dma_wait3A_34] : memref<128x128xf32, #tpu.memory_space<vmem>> -> memref<16x128xf32, #tpu.memory_space<vmem>>
    %dma_wait3A_36 = arith.constant 0 : i32
    %dma_wait3A_37 = tpu.memref_slice %arg6[%dma_wait3A_36] : memref<10000xi32, #tpu.memory_space<vmem>> -> memref<16xi32, #tpu.memory_space<vmem>>
    %dma_wait3A_38 = arith.constant 0 : i32
    %dma_wait3A_39 = arith.constant 0 : i32
    %dma_wait3A_40 = tpu.memref_slice %arg2[%dma_wait3A_38, %dma_wait3A_39] : memref<10000x128xf32, #tpu.memory_space<hbm>> -> memref<10000x128xf32, #tpu.memory_space<hbm>>
    tpu.wait_indirect_dma semaphore(%arg11 : memref<!tpu.dma_semaphore, #tpu.memory_space<semaphore_mem>>) src(%dma_wait3A_40 : memref<10000x128xf32, #tpu.memory_space<hbm>>) dst(%dma_wait3A_35 : memref<16x128xf32, #tpu.memory_space<vmem>>)
    %dma_wait3A_41 = arith.constant 0 : i32
    %dma_wait3A_42 = arith.constant 0 : i32
    %dma_wait3A_43 = arith.constant 0 : i32
    %dma_wait3A_44 = tpu.memref_slice %arg9[%dma_wait3A_41, %dma_wait3A_42, %dma_wait3A_43] : memref<2x128x128xf32, #tpu.memory_space<vmem>> -> memref<1x128x128xf32, #tpu.memory_space<vmem>>
    %dma_wait3A_45 = tpu.memref_squeeze %dma_wait3A_44 : memref<1x128x128xf32, #tpu.memory_space<vmem>> -> memref<128x128xf32, #tpu.memory_space<vmem>>
    %dma_wait3A_46 = arith.constant 0 : i32
    %dma_wait3A_47 = arith.constant 0 : i32
    %dma_wait3A_48 = tpu.memref_slice %dma_wait3A_45[%dma_wait3A_46, %dma_wait3A_47] : memref<128x128xf32, #tpu.memory_space<vmem>> -> memref<16x128xf32, #tpu.memory_space<vmem>>
    %dma_wait3A_49 = arith.constant 0 : i32
    %dma_wait3A_50 = tpu.memref_slice %arg7[%dma_wait3A_49] : memref<10000xi32, #tpu.memory_space<vmem>> -> memref<16xi32, #tpu.memory_space<vmem>>
    %dma_wait3A_51 = arith.constant 0 : i32
    %dma_wait3A_52 = arith.constant 0 : i32
    %dma_wait3A_53 = tpu.memref_slice %arg2[%dma_wait3A_51, %dma_wait3A_52] : memref<10000x128xf32, #tpu.memory_space<hbm>> -> memref<10000x128xf32, #tpu.memory_space<hbm>>
    tpu.wait_indirect_dma semaphore(%arg13 : memref<!tpu.dma_semaphore, #tpu.memory_space<semaphore_mem>>) src(%dma_wait3A_53 : memref<10000x128xf32, #tpu.memory_space<hbm>>) dst(%dma_wait3A_48 : memref<16x128xf32, #tpu.memory_space<vmem>>)
    %parallel_loop3A = arith.constant 0 : i32
    %parallel_loop3A_54 = arith.constant 16 : i32
    %parallel_loop3A_55 = arith.constant 1 : i32
    scf.for %parallel_loop3A_58 = %parallel_loop3A to %parallel_loop3A_54 step %parallel_loop3A_55  : i32 {
      %parallel_loop3A_59 = arith.constant 0 : i32
      %parallel_loop3A_60 = arith.index_cast %parallel_loop3A_59 : i32 to index
      %parallel_loop3A_61 = arith.index_cast %parallel_loop3A_58 : i32 to index
      %parallel_loop3A_62 = arith.constant 0 : index
      %parallel_loop3A_63 = tpu.vector_load %arg8[%parallel_loop3A_60, %parallel_loop3A_61, %parallel_loop3A_62] {strides = array<i32>} : memref<2x128x128xf32, #tpu.memory_space<vmem>>, vector<16xf32>,
      %parallel_loop3A_64 = arith.constant 0 : i32
      %parallel_loop3A_65 = arith.index_cast %parallel_loop3A_64 : i32 to index
      %parallel_loop3A_66 = arith.index_cast %parallel_loop3A_58 : i32 to index
      %parallel_loop3A_67 = arith.constant 0 : index
      %parallel_loop3A_68 = tpu.vector_load %arg9[%parallel_loop3A_65, %parallel_loop3A_66, %parallel_loop3A_67] {strides = array<i32>} : memref<2x128x128xf32, #tpu.memory_space<vmem>>, vector<16xf32>,
      %parallel_loop3A_69 = arith.mulf %parallel_loop3A_63, %parallel_loop3A_68 : vector<16xf32>
      %parallel_loop3A_70 = arith.constant 0 : i32
      %parallel_loop3A_71 = arith.index_cast %parallel_loop3A_70 : i32 to index
      %parallel_loop3A_72 = arith.index_cast %parallel_loop3A_58 : i32 to index
      %parallel_loop3A_73 = arith.constant 16 : index
      %parallel_loop3A_74 = tpu.vector_load %arg8[%parallel_loop3A_71, %parallel_loop3A_72, %parallel_loop3A_73] {strides = array<i32>} : memref<2x128x128xf32, #tpu.memory_space<vmem>>, vector<16xf32>,
      %parallel_loop3A_75 = arith.constant 0 : i32
      %parallel_loop3A_76 = arith.index_cast %parallel_loop3A_75 : i32 to index
      %parallel_loop3A_77 = arith.index_cast %parallel_loop3A_58 : i32 to index
      %parallel_loop3A_78 = arith.constant 16 : index
      %parallel_loop3A_79 = tpu.vector_load %arg9[%parallel_loop3A_76, %parallel_loop3A_77, %parallel_loop3A_78] {strides = array<i32>} : memref<2x128x128xf32, #tpu.memory_space<vmem>>, vector<16xf32>,
      %parallel_loop3A_80 = arith.mulf %parallel_loop3A_74, %parallel_loop3A_79 : vector<16xf32>
      %parallel_loop3A_81 = arith.constant 0 : i32
      %parallel_loop3A_82 = arith.index_cast %parallel_loop3A_81 : i32 to index
      %parallel_loop3A_83 = arith.index_cast %parallel_loop3A_58 : i32 to index
      %parallel_loop3A_84 = arith.constant 32 : index
      %parallel_loop3A_85 = tpu.vector_load %arg8[%parallel_loop3A_82, %parallel_loop3A_83, %parallel_loop3A_84] {strides = array<i32>} : memref<2x128x128xf32, #tpu.memory_space<vmem>>, vector<16xf32>,
      %parallel_loop3A_86 = arith.constant 0 : i32
      %parallel_loop3A_87 = arith.index_cast %parallel_loop3A_86 : i32 to index
      %parallel_loop3A_88 = arith.index_cast %parallel_loop3A_58 : i32 to index
      %parallel_loop3A_89 = arith.constant 32 : index
      %parallel_loop3A_90 = tpu.vector_load %arg9[%parallel_loop3A_87, %parallel_loop3A_88, %parallel_loop3A_89] {strides = array<i32>} : memref<2x128x128xf32, #tpu.memory_space<vmem>>, vector<16xf32>,
      %parallel_loop3A_91 = arith.mulf %parallel_loop3A_85, %parallel_loop3A_90 : vector<16xf32>
      %parallel_loop3A_92 = arith.addf %parallel_loop3A_69, %parallel_loop3A_91 : vector<16xf32>
      %parallel_loop3A_93 = arith.constant 0 : i32
      %parallel_loop3A_94 = arith.index_cast %parallel_loop3A_93 : i32 to index
      %parallel_loop3A_95 = arith.index_cast %parallel_loop3A_58 : i32 to index
      %parallel_loop3A_96 = arith.constant 48 : index
      %parallel_loop3A_97 = tpu.vector_load %arg8[%parallel_loop3A_94, %parallel_loop3A_95, %parallel_loop3A_96] {strides = array<i32>} : memref<2x128x128xf32, #tpu.memory_space<vmem>>, vector<16xf32>,
      %parallel_loop3A_98 = arith.constant 0 : i32
      %parallel_loop3A_99 = arith.index_cast %parallel_loop3A_98 : i32 to index
      %parallel_loop3A_100 = arith.index_cast %parallel_loop3A_58 : i32 to index
      %parallel_loop3A_101 = arith.constant 48 : index
      %parallel_loop3A_102 = tpu.vector_load %arg9[%parallel_loop3A_99, %parallel_loop3A_100, %parallel_loop3A_101] {strides = array<i32>} : memref<2x128x128xf32, #tpu.memory_space<vmem>>, vector<16xf32>,
      %parallel_loop3A_103 = arith.mulf %parallel_loop3A_97, %parallel_loop3A_102 : vector<16xf32>
      %parallel_loop3A_104 = arith.addf %parallel_loop3A_80, %parallel_loop3A_103 : vector<16xf32>
      %parallel_loop3A_105 = arith.constant 0 : i32
      %parallel_loop3A_106 = arith.index_cast %parallel_loop3A_105 : i32 to index
      %parallel_loop3A_107 = arith.index_cast %parallel_loop3A_58 : i32 to index
      %parallel_loop3A_108 = arith.constant 64 : index
      %parallel_loop3A_109 = tpu.vector_load %arg8[%parallel_loop3A_106, %parallel_loop3A_107, %parallel_loop3A_108] {strides = array<i32>} : memref<2x128x128xf32, #tpu.memory_space<vmem>>, vector<16xf32>,
      %parallel_loop3A_110 = arith.constant 0 : i32
      %parallel_loop3A_111 = arith.index_cast %parallel_loop3A_110 : i32 to index
      %parallel_loop3A_112 = arith.index_cast %parallel_loop3A_58 : i32 to index
      %parallel_loop3A_113 = arith.constant 64 : index
      %parallel_loop3A_114 = tpu.vector_load %arg9[%parallel_loop3A_111, %parallel_loop3A_112, %parallel_loop3A_113] {strides = array<i32>} : memref<2x128x128xf32, #tpu.memory_space<vmem>>, vector<16xf32>,
      %parallel_loop3A_115 = arith.mulf %parallel_loop3A_109, %parallel_loop3A_114 : vector<16xf32>
      %parallel_loop3A_116 = arith.addf %parallel_loop3A_92, %parallel_loop3A_115 : vector<16xf32>
      %parallel_loop3A_117 = arith.constant 0 : i32
      %parallel_loop3A_118 = arith.index_cast %parallel_loop3A_117 : i32 to index
      %parallel_loop3A_119 = arith.index_cast %parallel_loop3A_58 : i32 to index
      %parallel_loop3A_120 = arith.constant 80 : index
      %parallel_loop3A_121 = tpu.vector_load %arg8[%parallel_loop3A_118, %parallel_loop3A_119, %parallel_loop3A_120] {strides = array<i32>} : memref<2x128x128xf32, #tpu.memory_space<vmem>>, vector<16xf32>,
      %parallel_loop3A_122 = arith.constant 0 : i32
      %parallel_loop3A_123 = arith.index_cast %parallel_loop3A_122 : i32 to index
      %parallel_loop3A_124 = arith.index_cast %parallel_loop3A_58 : i32 to index
      %parallel_loop3A_125 = arith.constant 80 : index
      %parallel_loop3A_126 = tpu.vector_load %arg9[%parallel_loop3A_123, %parallel_loop3A_124, %parallel_loop3A_125] {strides = array<i32>} : memref<2x128x128xf32, #tpu.memory_space<vmem>>, vector<16xf32>,
      %parallel_loop3A_127 = arith.mulf %parallel_loop3A_121, %parallel_loop3A_126 : vector<16xf32>
      %parallel_loop3A_128 = arith.addf %parallel_loop3A_104, %parallel_loop3A_127 : vector<16xf32>
      %parallel_loop3A_129 = arith.constant 0 : i32
      %parallel_loop3A_130 = arith.index_cast %parallel_loop3A_129 : i32 to index
      %parallel_loop3A_131 = arith.index_cast %parallel_loop3A_58 : i32 to index
      %parallel_loop3A_132 = arith.constant 96 : index
      %parallel_loop3A_133 = tpu.vector_load %arg8[%parallel_loop3A_130, %parallel_loop3A_131, %parallel_loop3A_132] {strides = array<i32>} : memref<2x128x128xf32, #tpu.memory_space<vmem>>, vector<16xf32>,
      %parallel_loop3A_134 = arith.constant 0 : i32
      %parallel_loop3A_135 = arith.index_cast %parallel_loop3A_134 : i32 to index
      %parallel_loop3A_136 = arith.index_cast %parallel_loop3A_58 : i32 to index
      %parallel_loop3A_137 = arith.constant 96 : index
      %parallel_loop3A_138 = tpu.vector_load %arg9[%parallel_loop3A_135, %parallel_loop3A_136, %parallel_loop3A_137] {strides = array<i32>} : memref<2x128x128xf32, #tpu.memory_space<vmem>>, vector<16xf32>,
      %parallel_loop3A_139 = arith.mulf %parallel_loop3A_133, %parallel_loop3A_138 : vector<16xf32>
      %parallel_loop3A_140 = arith.addf %parallel_loop3A_116, %parallel_loop3A_139 : vector<16xf32>
      %parallel_loop3A_141 = arith.constant 0 : i32
      %parallel_loop3A_142 = arith.index_cast %parallel_loop3A_141 : i32 to index
      %parallel_loop3A_143 = arith.index_cast %parallel_loop3A_58 : i32 to index
      %parallel_loop3A_144 = arith.constant 112 : index
      %parallel_loop3A_145 = tpu.vector_load %arg8[%parallel_loop3A_142, %parallel_loop3A_143, %parallel_loop3A_144] {strides = array<i32>} : memref<2x128x128xf32, #tpu.memory_space<vmem>>, vector<16xf32>,
      %parallel_loop3A_146 = arith.constant 0 : i32
      %parallel_loop3A_147 = arith.index_cast %parallel_loop3A_146 : i32 to index
      %parallel_loop3A_148 = arith.index_cast %parallel_loop3A_58 : i32 to index
      %parallel_loop3A_149 = arith.constant 112 : index
      %parallel_loop3A_150 = tpu.vector_load %arg9[%parallel_loop3A_147, %parallel_loop3A_148, %parallel_loop3A_149] {strides = array<i32>} : memref<2x128x128xf32, #tpu.memory_space<vmem>>, vector<16xf32>,
      %parallel_loop3A_151 = arith.mulf %parallel_loop3A_145, %parallel_loop3A_150 : vector<16xf32>
      %parallel_loop3A_152 = arith.addf %parallel_loop3A_128, %parallel_loop3A_151 : vector<16xf32>
      %parallel_loop3A_153 = arith.addf %parallel_loop3A_140, %parallel_loop3A_152 : vector<16xf32>
      %parallel_loop3A_154 = arith.constant true
      %parallel_loop3A_155 = vector.broadcast %parallel_loop3A_154 : i1 to vector<16xi1>
      %parallel_loop3A_156 = tpu.scan <sum>, %parallel_loop3A_153 masked %parallel_loop3A_155 : vector<16xf32>, vector<16xi1> -> vector<16xf32>
      %parallel_loop3A_157 = vector.extract %parallel_loop3A_156[15] : f32 from vector<16xf32>
      %parallel_loop3A_158 = arith.constant 9984 : i32
      %parallel_loop3A_159 = arith.addi %parallel_loop3A_158, %parallel_loop3A_58 : i32
      %parallel_loop3A_160 = vector.broadcast %parallel_loop3A_159 : i32 to vector<16xi32>
      %parallel_loop3A_161 = vector.broadcast %parallel_loop3A_157 : f32 to vector<16xf32>
      %parallel_loop3A_162 = arith.constant 0 : i32
      %parallel_loop3A_163 = vector.broadcast %parallel_loop3A_162 : i32 to vector<16xi32>
      %parallel_loop3A_164 = arith.cmpi eq, %iota3A, %parallel_loop3A_163 : vector<16xi32>
      tpu.vector_store_idx %arg10[%parallel_loop3A_160], %parallel_loop3A_161 masked %parallel_loop3A_164 : memref<10000xf32, #tpu.memory_space<vmem>>[vector<16xi32>], vector<16xf32>, vector<16xi1>
    } {sc.loop_unroll_factor = 4 : i64, sc.parallel_access}
    %mul3A_56 = arith.constant 10000 : i32
    %mul3A_57 = arith.muli %add3A, %mul3A_56 : i32
    "tpu.region"() ({
      %run_scoped3A = tpu.sem_alloc : memref<!tpu.dma_semaphore, #tpu.memory_space<semaphore_mem>>
      %dma_start3A_58 = tpu.memref_slice %arg5[%mul3A_57] : memref<320000xf32, #tpu.memory_space<hbm>> -> memref<10000xf32, #tpu.memory_space<hbm>>
      %dma_start3A_59 = tpu.memref_slice %arg5[%mul3A_57] : memref<320000xf32, #tpu.memory_space<hbm>> -> memref<10000xf32, #tpu.memory_space<hbm>>
      tpu.enqueue_dma source(%arg10 : memref<10000xf32, #tpu.memory_space<vmem>>) target(%dma_start3A_59 : memref<10000xf32, #tpu.memory_space<hbm>>) target_semaphore(%run_scoped3A : memref<!tpu.dma_semaphore, #tpu.memory_space<semaphore_mem>>)
      %dma_wait3A_60 = tpu.memref_slice %arg5[%mul3A_57] : memref<320000xf32, #tpu.memory_space<hbm>> -> memref<10000xf32, #tpu.memory_space<hbm>>
      %dma_wait3A_61 = tpu.memref_slice %arg5[%mul3A_57] : memref<320000xf32, #tpu.memory_space<hbm>> -> memref<10000xf32, #tpu.memory_space<hbm>>
      tpu.wait_dma2 semaphore(%run_scoped3A : memref<!tpu.dma_semaphore, #tpu.memory_space<semaphore_mem>>) src(%arg10 : memref<10000xf32, #tpu.memory_space<vmem>>) dst(%dma_wait3A_61 : memref<10000xf32, #tpu.memory_space<hbm>>)
      tpu.yield
    }) : () -> ()
    return
  }
}

</mosaic_0001>

<sc_bundles>
// kernel: kernel.3.cloned.1.call-start
scs
__scs_entry_jumppad:
0x0: {  	(pc) =	sbr.rel $0x88, $3  }
0x1: {  	(tag) =	ssettag $0x0;
	lr =	simm.s32 $0x1  }
0x2: {  	[smem:$0x3F9F] =	sst lr;
	_ =	strace $0xD0000000  }
0x3: {  	_ = 	snop  }
0x4: {  	_ = 	snop  }
0x5: {  	_ = 	snop  }
0x6: {  	_ = 	snop  }
0x7: {  	_ = 	snop  }
__scs_overlays_trampoline_lowered:
0x8: {  	[smem:$0x3FAE] =	sst s0  }
0x9: {  	[smem:$0x3FAF] =	sst s1  }
0xa: {  	[smem:$0x3FB0] =	sst s2  }
0xb: {  	[smem:$0x3FB1] =	sst s3  }
0xc: {  	[smem:$0x3FB2] =	sst s4  }
0xd: {  	[smem:$0x3FB3] =	sst s5  }
0xe: {  	[smem:$0x3FB4] =	sst s6  }
0xf: {  	[smem:$0x3FB5] =	sst s7  }
0x10: {  	[smem:$0x3FB6] =	sst s8  }
0x11: {  	[smem:$0x3FB7] =	sst s9;
	s0 =	simm.s32 @!p0 $0x0  }
0x12: {  	s1 =	sld [smem:$0x3F9D];
	s0 =	simm.s32 @p0 $0x1  }
0x13: {  	[smem:$0x3FB8] =	sst s0;
	s0 =	simm.s32 @!p1 $0x0  }
0x14: {  	s2 =	sld [smem:$0x3F9C];
	s0 =	simm.s32 @p1 $0x1  }
0x15: {  	[smem:$0x3FB9] =	sst s0;
	s0 =	simm.s32 @!p2 $0x0  }
0x16: {  	s3 =	sld [smem:$0x3FDB];
	s0 =	simm.s32 @p2 $0x1  }
0x17: {  	s4 =	simm.s32 $0x1BF5;
	[smem:$0x3FBB] =	sst s0  }
0x18: {  	s0 =	sld [smem:$0x3F9E];
	_ =	swait.ge [sflag:s4], $0x0  }
0x19: {  	s7 =	sld [smem:$0x3F9F]  }
0x1a: {  	s8 =	sadd.s32 $0xFFFFE003, lr  }
0x1b: {  	s9 =	sadd.s32 $0xFFFFFEF7, lr;
	s5 =	simm.s32 $0xFFFFFFFF;
	p2 =	slt.u32 s8, $0xFFFFF086  }
0x1c: {  	p1 =	slt.u32 s9, $0xF7A;
	s5 =	simm.s32 @!p2 $0x0  }
0x1d: {  	s5 =	simm.s32 @p1 $0x1;
	p0 =	seq.s32 s7, s2  }
0x1e: {  	s7 =	smul.u32 @!p0 $0xF7A, s2;
	p2 =	seq.s32 @!p0 s5, $0x0  }
0x1f: {  	s9 =	smul.u32 $0xF7A, s1;
	s8 =	simm.s32 @!p0 $0x1BF5;
	p2 =	por !p2, p0  }
0x20: {  	[sflag:s8] =	ssyncset.s32 @!p0 $0xFFFFF086;
	s6 =	sadd.s32 @!p0 s3, s7;
	s7 =	simm.s32 @!p0 $0x108  }
0x21: {  	s3 =	sadd.s32 s3, s9;
	s6 =	sadd.s32 @!p0 $0x88, s6;
	s7 =	simm.s32 @p2 $0x1082  }
0x22: {  	[simem:s7], [sflag:s8] =	dma.local @!p0 [hbm:s6], $0xF7A  }
0x23: {  	s9 =	sor.u32 $0xD0000000, s2;
	s6 =	simm.s32 $0x108;
	_ =	swait.ge @!p0 [sflag:s8], $0x0  }
0x24: {  	s3 =	sadd.s32 $0x88, s3;
	s6 =	simm.s32 @!p1 $0x1082;
	[sflag:s4] =	ssyncset.s32 $0xFFFFF086  }
0x25: {  	[simem:s6], [sflag:s4] =	dma.local [hbm:s3], $0xF7A  }
0x26: {  	[smem:$0x3F9F] =	sst s1;
	(tag) =	ssettag s2;
	_ =	strace s9  }
0x27: {  	s1 =	sld [smem:$0x3FAF]  }
0x28: {  	s2 =	sld [smem:$0x3FB0]  }
0x29: {  	s4 =	sld [smem:$0x3FB2]  }
0x2a: {  	p0 =	seq.s32 s5, $0x0;
	s5 =	sld [smem:$0x3FB3]  }
0x2b: {  	s6 =	sld [smem:$0x3FB4]  }
0x2c: {  	s7 =	sld [smem:$0x3FB5]  }
0x2d: {  	s3 =	simm.s32 $0x108;
	s8 =	sld [smem:$0x3FB6]  }
0x2e: {  	s3 =	simm.s32 @!p0 $0x1082;
	s9 =	sld [smem:$0x3FB7]  }
0x2f: {  	lr =	sadd.s32 s0, s3;
	s0 =	sld [smem:$0x3FAE]  }
0x30: {  	s3 =	sld [smem:$0x3FB1]  }
0x31: {  	[smem:$0x3FBA] =	sst s10  }
0x32: {  	s10 =	sld [smem:$0x3FB8];
	_ =	sdelay $0x3  }
0x33: {  	p0 =	seq.s32 s10, $0x1;
	s10 =	sld [smem:$0x3FBA];
	_ =	sdelay $0x3  }
0x34: {  	[smem:$0x3FBA] =	sst s10  }
0x35: {  	s10 =	sld [smem:$0x3FB9];
	_ =	sdelay $0x3  }
0x36: {  	p1 =	seq.s32 s10, $0x1;
	s10 =	sld [smem:$0x3FBA];
	_ =	sdelay $0x3  }
0x37: {  	[smem:$0x3FBA] =	sst s10  }
0x38: {  	s10 =	sld [smem:$0x3FBB]  }
0x39: {  	_ = 	snop;
	(pc) =	sbr.ind lr, $3  }
0x3a: {  	_ = 	snop  }
0x3b: {  	_ = 	snop  }
0x3c: {  	p2 =	seq.s32 s10, $0x1;
	s10 =	sld [smem:$0x3FBA]  }
0x3d: {  	_ =	shalt  }
0x3e: {  	_ =	shalt  }
0x3f: {  	_ =	shalt  }
0x40: {  	_ =	shalt  }
0x41: {  	_ =	shalt  }
0x42: {  	_ =	shalt  }
0x43: {  	_ =	shalt  }
0x44: {  	_ =	shalt  }
0x45: {  	_ =	shalt  }
0x46: {  	_ =	shalt  }
0x47: {  	_ =	shalt  }
0x48: {  	_ =	shalt  }
0x49: {  	_ =	shalt  }
0x4a: {  	_ =	shalt  }
0x4b: {  	_ =	shalt  }
0x4c: {  	_ =	shalt  }
0x4d: {  	_ =	shalt  }
0x4e: {  	_ =	shalt  }
0x4f: {  	_ =	shalt  }
0x50: {  	_ =	shalt  }
0x51: {  	_ =	shalt  }
0x52: {  	_ =	shalt  }
0x53: {  	_ =	shalt  }
0x54: {  	_ =	shalt  }
0x55: {  	_ =	shalt  }
0x56: {  	_ =	shalt  }
0x57: {  	_ =	shalt  }
0x58: {  	_ =	shalt  }
0x59: {  	_ =	shalt  }
0x5a: {  	_ =	shalt  }
0x5b: {  	_ =	shalt  }
0x5c: {  	_ =	shalt  }
0x5d: {  	_ =	shalt  }
0x5e: {  	_ =	shalt  }
0x5f: {  	_ =	shalt  }
0x60: {  	_ =	shalt  }
0x61: {  	_ =	shalt  }
0x62: {  	_ =	shalt  }
0x63: {  	_ =	shalt  }
0x64: {  	_ =	shalt  }
0x65: {  	_ =	shalt  }
0x66: {  	_ =	shalt  }
0x67: {  	_ =	shalt  }
0x68: {  	_ =	shalt  }
0x69: {  	_ =	shalt  }
0x6a: {  	_ =	shalt  }
0x6b: {  	_ =	shalt  }
0x6c: {  	_ =	shalt  }
0x6d: {  	_ =	shalt  }
0x6e: {  	_ =	shalt  }
0x6f: {  	_ =	shalt  }
0x70: {  	_ =	shalt  }
0x71: {  	_ =	shalt  }
0x72: {  	_ =	shalt  }
0x73: {  	_ =	shalt  }
0x74: {  	_ =	shalt  }
0x75: {  	_ =	shalt  }
0x76: {  	_ =	shalt  }
0x77: {  	_ =	shalt  }
0x78: {  	_ =	shalt  }
0x79: {  	_ =	shalt  }
0x7a: {  	_ =	shalt  }
0x7b: {  	_ =	shalt  }
0x7c: {  	_ =	shalt  }
0x7d: {  	_ =	shalt  }
0x7e: {  	_ =	shalt  }
0x7f: {  	_ =	shalt  }
0x80: {  	_ =	shalt  }
0x81: {  	_ =	shalt  }
0x82: {  	_ =	shalt  }
0x83: {  	_ =	shalt  }
0x84: {  	_ =	shalt  }
0x85: {  	_ =	shalt  }
0x86: {  	_ =	shalt  }
0x87: {  	_ =	shalt  }
.Lfunc_end0:
.L_simem_size_0:
called_computation_lowered:
.L_overlay_start_0:
0x88: {  	s2 =	sld [smem:$0x3FD9]  }
0x89: {  	s3 =	sld [smem:$0x3FFE];
	_ =	sdelay $0x1  }
0x8a: {  	s1 =	srdreg.scid  }
0x8b: {  	s0 =	sand.u32 $0x1, s1  }
0x8c: {  	s17 =	sshll.u32 s0, $0xA;
	s2 =	sadd.s32 s3, s2  }
0x8d: {  	s2 =	sadd.s32 s2, s17  }
0x8e: {  	[smem:$0x3FC6] =	sst s2  }
0x8f: {  	_ = 	snop  }
0x90: {  	s2 =	sld [smem:$0x3FC9]  }
0x91: {  	s18 =	sld [smem:$0x3FD0];
	(tm) =	ssettm $0x1  }
0x92: {  	s4 =	sld [smem:$0x3FFB];
	_ =	sdelay $0x3  }
0x93: {  	_ =	strace s4  }
0x94: {  	s4 =	sld [smem:$0x3FFC];
	_ =	sdelay $0x3  }
0x95: {  	_ =	strace s4  }
0x96: {  	s4 =	sld [smem:$0x3FFD];
	_ =	sdelay $0x3  }
0x97: {  	_ =	strace s4  }
0x98: {  	_ =	strace $0x8FFFFFFF  }
0x99: {  	s19 =	sld [smem:$0x3FDB];
	_ =	sdelay $0x1  }
0x9a: {  	s5 =	simm.s32 $_scs_section_size  }
0x9b: {  	s6 =	simm.s32 $_size__tile_overlayer_lowered;
	s7 =	simm.s32 $_tile_overlayer_lowered  }
0x9c: {  	s22 =	simm.s32 $0x1BFF;
	s21 =	sshll.u32 s7, $0x1;
	s4 =	sadd.s32 s5, s19  }
0x9d: {  	s8 =	simm.s32 $0x0;
	s20 =	sshll.u32 s6, $0x1;
	s6 =	sadd.s32 s21, s4  }
0x9e: {  	[timem:s8], [sflag:s22] =	dma.local [hbm:s6], s20  }
0x9f: {  	_ =	swait.ge [sflag:s22], s20  }
0xa0: {  	s5 =	ssub.s32 $0x0, s20;
	[sflag:s22] =	ssyncset.done $0x0  }
0xa1: {  	[sflag:s22] =	ssyncadd.s32 s5;
	_ =	sdelay $0x1  }
0xa2: {  	s23 =	simm.s32 $0x1B8B  }
0xa3: {  	_ =	swait.ge [sflag:s23], $0x1  }
0xa4: {  	[sflag:s23] =	ssyncset.done $0x0  }
0xa5: {  	s25 =	simm.s32 $0x1B8E;
	s24 =	sld [smem:$0x3FFE];
	[sflag:s23] =	ssyncadd.s32 $0xFFFFFFFF  }
0xa6: {  	s26 =	simm.s32 $execute0_lowered;
	[smem:$0x3FD2] =	sst s25  }
0xa7: {  	s6 =	sshll.u32 s26, $0x1;
	_ =	strace $0x80000046;
	[dreg:$0x1] =	wrdreg $0xFFFFFFFF  }
0xa8: {  	s28 =	simm.s32 $_size_execute0_lowered;
	s4 =	sadd.s32 s4, s6;
	[dreg:$0x0] =	wrdreg $0x0  }
0xa9: {  	s6 =	sshll.u32 s28, $0x1;
	[dreg:$0x2] =	wrdreg s4  }
0xaa: {  	[dreg:$0x3] =	wrdreg s6  }
0xab: {  	[dreg:$0x4] =	wrdreg $0xC0  }
0xac: {  	_ =	task [dreg:s8], $0x5FFFF  }
0xad: {  	[dreg:$0x1] =	wrdreg $0xFFFFFFFF  }
0xae: {  	[dreg:$0x0] =	wrdreg $0x60  }
0xaf: {  	[dreg:$0x2] =	wrdreg s2  }
0xb0: {  	[dreg:$0x3] =	wrdreg s24  }
0xb1: {  	[dreg:$0x4] =	wrdreg s18  }
0xb2: {  	[dreg:$0x5] =	wrdreg $0x9  }
0xb3: {  	_ =	task.clear_ibuf [dreg:s8], $0x6FFFF;
	_ =	strace $0x90000046  }
0xb4: {  	s29 =	simm.s32 $0x9;
	_ =	strace $0x80000048  }
0xb5: {  	_ =	swait.ge [sflag:s29], $0x1  }
0xb6: {  	[sflag:s29] =	ssyncadd.s32 $0xFFFFFFFF  }
0xb7: {  	_ =	strace $0x90000048  }
0xb8: {  	_ =	sfence  }
0xb9: {  	s30 =	sld [smem:$0x0];
	_ =	sdelay $0x2  }
0xba: {  	s31 =	sshll.u32 s1, $0xD;
	s1 =	sshrl.u32 s1, $0x2  }
0xbb: {  	s3 =	sand.u32 $0x4000, s31;
	s1 =	sadd.s32 s1, s30  }
0xbc: {  	s0 =	sor.u32 s3, s0;
	s1 =	sshll.u32 s1, $0x11  }
0xbd: {  	s0 =	sor.u32 s1, s0  }
0xbe: {  	s0 =	sadd.s32 $0x8F2B, s0  }
0xbf: {  	[sflag:s0] =	ssyncadd.remote.s32 $0x1  }
0xc0: {  	_ =	sfence.sel $0xFFFF  }
0xc1: {  	[dreg:$0x0] =	wrdreg $0xFFFFFFFF;
	(pc) =	sbr.abs _section_cstart, $3  }
0xc2: {  	[dreg:$0x1] =	wrdreg $0xFFFFFFFF  }
0xc3: {  	_ =	task.clear_ibuf [dreg:s8], $0x2FFFF;
	_ =	strace $0x9FFFFFFF  }
0xc4: {  	(tm) =	ssettm $0x7FFFFFFF  }
0xc5: {  	_ =	shalt  }
tec
execute0_lowered:
.L_overlay_start_1:
0x0: {  	(tag) =	ssettag $0x1  }
0x1: {  	s1 =	rddreg [dreg:$0x0]  }
0x2: {  	s2 =	srdreg.scid;
	s5 =	rddreg [dreg:$0x1]  }
0x3: {  	s0 =	stileid.u32;
	s6 =	rddreg [dreg:$0x2];
	s3 =	simm.s32 $0x0  }
0x4: {  	s10 =	simm.s32 $0x80;
	s11 =	simm.s32 $0x4F00;
	s12 =	simm.s32 $0xCF00  }
0x5: {  	s13 =	simm.s32 $0x8F00;
	s14 =	simm.s32 $0x10F00;
	s15 =	simm.s32 $0x1  }
0x6: {  	s16 =	simm.s32 $0x3;
	s17 =	simm.s32 $0x14F00;
	s18 =	simm.s32 $0x2  }
0x7: {  	s19 =	simm.s32 $0x4;
	s4 =	sand.u32 $0x1, s2;
	s31 =	sshll.u32 s0, $0x1  }
0x8: {  	s20 =	simm.s32 $0x0;
	s2 =	sor.u32 s4, s31;
	s8 =	ssub.s32 $0x2, s4  }
0x9: {  	[smem:$0x7FF] =	sst s3;
	s7 =	smul.u32 $0x4E2, s2;
	s9 =	sshrl.u32 s8, $0x1  }
0xa: {  	s2 =	rddreg [dreg:$0x3];
	_ =	strace $0x80000047;
	s8 =	ssub.s32 s8, s9  }
0xb: {  	s9 =	simm.s32 $0x2780;
	s4 =	sadd.s32 s5, s7;
	s6 =	sadd.s32 s6, s7  }
0xc: {  	s7 =	smax.u32 s8, $0x1;
	s8 =	simm.s32 $0x5;
	s5 =	sadd.s32 $0x9E00, s4  }
.LBB2_1:
0xd: {  	[tilespmem:s3], [sflag:$0x5] =	stream.linear.gather [hbm4b:s5+s3], $0x2710, $0x38;
	[tilespmem:$0x17680] =	vst v63  }
0xe: {  	_ =	swait.ge [sflag:s8], $0x2710  }
0xf: {  	[sflag:s8] =	ssyncset.done $0x0  }
0x10: {  	[sflag:s8] =	ssyncadd.s32 $0xFFFFD8F0  }
0x11: {  	[tilespmem:s9], [sflag:$0x5] =	stream.linear.gather [hbm4b:s4+s3], $0x2710, $0x38;
	[tilespmem:$0x17680] =	vst v63  }
0x12: {  	_ =	swait.ge [sflag:s8], $0x2710  }
0x13: {  	[sflag:s8] =	ssyncset.done $0x0  }
0x14: {  	[sflag:s8] =	ssyncadd.s32 $0xFFFFD8F0  }
0x15: {  	[tilespmem:s11], [sflag:$0x1] =	stream.indirect.gather [hbm4b:s1+s10], $0x80, s3, s10, $0xb8;
	[tilespmem:$0x17680] =	vst v63  }
0x16: {  	s21 =	simm.s32 $0x0;
	s22 =	simm.s32 $0x0  }
0x17: {  	[tilespmem:s12], [sflag:$0x3] =	stream.indirect.gather [hbm4b:s1+s10], $0x80, s9, s10, $0xb8;
	[tilespmem:$0x17680] =	vst v63  }
.LBB2_2:
0x18: {  	s23 =	sshll.u32 s22, $0x8  }
0x19: {  	s24 =	sor.u32 $0x80, s23  }
0x1a: {  	[tilespmem:s13], [sflag:$0x2] =	stream.indirect.gather [hbm4b:s1+s10], $0x80, s24, s10, $0xb8;
	[tilespmem:$0x17680] =	vst v63  }
0x1b: {  	s23 =	sadd.s32 $0x2800, s23  }
0x1c: {  	[tilespmem:s14], [sflag:$0x4] =	stream.indirect.gather [hbm4b:s1+s10], $0x80, s23, s10, $0xb8;
	[tilespmem:$0x17680] =	vst v63  }
0x1d: {  	_ =	swait.ge [sflag:s15], $0x4000  }
0x1e: {  	[sflag:s15] =	ssyncset.done $0x0  }
0x1f: {  	[sflag:s15] =	ssyncadd.s32 $0xFFFFC000  }
0x20: {  	_ =	swait.ge [sflag:s16], $0x4000  }
0x21: {  	[sflag:s16] =	ssyncset.done $0x0  }
0x22: {  	s30 =	simm.s32 $0x5000;
	[sflag:s16] =	ssyncadd.s32 $0xFFFFC000  }
0x23: {  	s23 =	simm.s32 $0xD000;
	v0 =	vld [tilespmem:s30+$0xE0]  }
0x24: {  	v1 =	vld [tilespmem:s23+$0xE0]  }
0x25: {  	v2 =	vld [tilespmem:s30+$0xC0]  }
0x26: {  	v3 =	vld [tilespmem:s23+$0xC0]  }
0x27: {  	v4 =	vld [tilespmem:s30+$0x80]  }
0x28: {  	v5 =	vld [tilespmem:s23+$0x80]  }
0x29: {  	v6 =	vld [tilespmem:s30+$0x90]  }
0x2a: {  	v7 =	vld [tilespmem:s23+$0x90]  }
0x2b: {  	v8 =	vld [tilespmem:s30+$0xA0]  }
0x2c: {  	v9 =	vld [tilespmem:s23+$0xA0]  }
0x2d: {  	v10 =	vld [tilespmem:s30+$0xB0]  }
0x2e: {  	v11 =	vld [tilespmem:s23+$0xB0]  }
0x2f: {  	v12 =	vld [tilespmem:s30+$0xD0]  }
0x30: {  	v13 =	vld [tilespmem:s23+$0xD0]  }
0x31: {  	v14 =	vld [tilespmem:s30+$0xF0]  }
0x32: {  	v15 =	vld [tilespmem:s23+$0xF0]  }
0x33: {  	v16 =	vld [tilespmem:s23+$0xFFFFFF00]  }
0x34: {  	v17 =	vld [tilespmem:s30+$0xFFFFFF10]  }
0x35: {  	v18 =	vld [tilespmem:s23+$0xFFFFFF10]  }
0x36: {  	v19 =	vld [tilespmem:s30+$0xFFFFFF20]  }
0x37: {  	v20 =	vld [tilespmem:s23+$0xFFFFFF20]  }
0x38: {  	v21 =	vld [tilespmem:s30+$0xFFFFFF30]  }
0x39: {  	v22 =	vld [tilespmem:s23+$0xFFFFFF30]  }
0x3a: {  	v23 =	vld [tilespmem:s30+$0xFFFFFF80]  }
0x3b: {  	v24 =	vld [tilespmem:s23+$0xFFFFFF80]  }
0x3c: {  	v25 =	vld [tilespmem:s30+$0xFFFFFF90]  }
0x3d: {  	v26 =	vld [tilespmem:s23+$0xFFFFFF90]  }
0x3e: {  	v27 =	vld [tilespmem:s30+$0xFFFFFFA0]  }
0x3f: {  	v28 =	vld [tilespmem:s23+$0xFFFFFFA0]  }
0x40: {  	v29 =	vld [tilespmem:s30+$0xFFFFFFB0]  }
0x41: {  	v30 =	vld [tilespmem:s23+$0xFFFFFFB0]  }
0x42: {  	v31 =	vld [tilespmem:s30+$0x0]  }
0x43: {  	v32 =	vld [tilespmem:s23+$0x0]  }
0x44: {  	v33 =	vld [tilespmem:s30+$0x10]  }
0x45: {  	v34 =	vld [tilespmem:s23+$0x10]  }
0x46: {  	v35 =	vld [tilespmem:s30+$0x20]  }
0x47: {  	v36 =	vld [tilespmem:s23+$0x20]  }
0x48: {  	v37 =	vld [tilespmem:s30+$0x30]  }
0x49: {  	v55 =	vld [tilespmem:s23+$0x40]  }
0x4a: {  	v59 =	vld [tilespmem:s30+$0xFFFFFF60];
	v4 =	vmul.f32 v5, v4;
	v5 =	vmul.f32 v7, v6  }
0x4b: {  	v60 =	vld [tilespmem:s23+$0xFFFFFF70];
	v7 =	vmul.f32 v9, v8;
	v8 =	vmul.f32 v11, v10  }
0x4c: {  	v6 =	vld [tilespmem:s23+$0x30];
	v2 =	vmul.f32 v3, v2  }
0x4d: {  	v9 =	vld [tilespmem:s30+$0xFFFFFF00];
	v4 =	vadd.f32 v7, v4;
	v5 =	vadd.f32 v8, v5;
	v7 =	vmul.f32 v13, v12  }
0x4e: {  	v3 =	vld [tilespmem:s30+$0xFFFFFF40];
	v0 =	vmul.f32 v1, v0  }
0x4f: {  	v1 =	vld [tilespmem:s30+$0xFFFFFF50];
	v2 =	vadd.f32 v2, v4;
	v4 =	vadd.f32 v7, v5;
	v5 =	vmul.f32 v15, v14  }
0x50: {  	v10 =	vld [tilespmem:s30+$0xFFFFFFC0]  }
0x51: {  	v8 =	vld [tilespmem:s23+$0xFFFFFF40];
	v0 =	vadd.f32 v0, v2;
	v2 =	vadd.f32 v5, v4  }
0x52: {  	v11 =	vmul.f32 v18, v17;
	v12 =	vld [tilespmem:s23+$0xFFFFFFD0]  }
0x53: {  	v17 =	vmul.f32 v28, v27;
	v13 =	vmul.f32 v22, v21;
	v7 =	vld [tilespmem:s23+$0xFFFFFF50];
	v0 =	vadd.f32 v2, v0  }
0x54: {  	v57 =	vmul.f32 v32, v31;
	v14 =	vmul.f32 v24, v23;
	v15 =	vld [tilespmem:s30+$0x40]  }
0x55: {  	v11 =	vadd.f32 v13, v11;
	v13 =	vmul.f32 v34, v33;
	v9 =	vmul.f32 v16, v9;
	v4 =	vld [tilespmem:s23+$0xFFFFFFC0];
	(xrf2) =	vadd.scan.msk.f32 $0xffff, v0  }
0x56: {  	v6 =	vmul.f32 v6, v37;
	v5 =	vld [tilespmem:s30+$0xFFFFFFD0];
	v14 =	vadd.f32 v17, v14;
	v17 =	vmul.f32 v36, v35  }
0x57: {  	v3 =	vmul.f32 v8, v3;
	v8 =	vld [tilespmem:s23+$0xFFFFFF60];
	v2 =	vmul.f32 v20, v19  }
0x58: {  	s25 =	sadd.s32 $0xFFFFFFFC, s21;
	v56 =	vmul.f32 v30, v29;
	v6 =	vadd.f32 v6, v13;
	v13 =	vld [tilespmem:s30+$0xFFFFFF70];
	v1 =	vmul.f32 v7, v1  }
0x59: {  	s31 =	sadd.s32 $0x7, s25;
	v58 =	vld [tilespmem:s30+$0x50];
	v0 =	vmul.f32 v26, v25;
	v2 =	vadd.f32 v2, v9;
	v9 =	vadd.f32 v17, v57  }
0x5a: {  	s26 =	sadd.s32 $0x4, s25;
	v16 =	vld [tilespmem:s23+$0x50];
	v61 =	vadd.f32 v1, v11;
	v1 =	vmov s31;
	v11 =	vmul.f32 v55, v15  }
0x5b: {  	s28 =	sadd.s32 $0x5, s25;
	v0 =	vadd.f32 v56, v0;
	v17 =	vadd.f32 v3, v2;
	v2 =	vmov s26  }
0x5c: {  	v62 =	vld [tilespmem:s23+$0xFFFFFFE0];
	v3 =	vmul.f32 v4, v10;
	v10 =	vmov s28;
	v4 =	vmul.f32 v12, v5  }
0x5d: {  	s25 =	sadd.s32 $0x6, s25;
	v12 =	vld [tilespmem:s30+$0xFFFFFFE0];
	v63 =	vmul.f32 v8, v59;
	v19 =	vmul.f32 v60, v13;
	v15 =	vand.u32 $0xFFFFFFFD, v10  }
0x5e: {  	v7 =	vld [tilespmem:s30+$0xFFFFFFF0];
	v5 =	vadd.f32 v3, v14;
	v14 =	vmov s25;
	v3 =	vadd.f32 v4, v0  }
0x5f: {  	v0 =	vand.u32 $0xFFFFFFFC, v2;
	v4 =	vadd.f32 v11, v9;
	v11 =	vmul.f32 v16, v58;
	v9 =	vld [tilespmem:s23+$0xFFFFFFF0];
	v2, _, _ =	vpop (xrf2)  }
0x60: {  	v8 =	vld [tilespmem:s30+$0x60];
	v13 =	vadd.f32 v63, v17;
	v14 =	vand.u32 $0xFFFFFFFE, v14;
	v16 =	vbroadcast v2, $0xF  }
0x61: {  	v10 =	vld [tilespmem:s23+$0x60];
	v6 =	vadd.f32 v11, v6;
	v2 =	vbroadcast v0, $0x0;
	v0 =	vbroadcast v14, $0x0  }
0x62: {  	v11 =	vld [tilespmem:s30+$0x70];
	v14 =	vmul.f32 v62, v12;
	[tilespmem:v1+s17+$0x0] =	vst.idx.msk $0x1, v16;
	v1 =	vbroadcast v15, $0x0;
	v15 =	vadd.f32 v19, v61  }
0x63: {  	s24 =	simm.s32 $0x0;
	s25 =	simm.s32 $0x5200;
	v12 =	vld [tilespmem:s23+$0x70]  }
.LBB2_3:
0x64: {  	v16 =	vld [tilespmem:s25+$0xE0];
	v13 =	vadd.f32 v15, v13;
	v5 =	vadd.f32 v14, v5;
	v7 =	vmul.f32 v9, v7;
	s23 =	sadd.s32 $0x200, s23;
	s26 =	smov.u32 s24  }
0x65: {  	v9 =	vld [tilespmem:s23+$0xE0]  }
0x66: {  	v14 =	vld [tilespmem:s25+$0xC0];
	v3 =	vadd.f32 v7, v3;
	v7 =	vmul.f32 v10, v8;
	(xrf2) =	vadd.scan.msk.f32 $0xffff, v13  }
0x67: {  	v8 =	vld [tilespmem:s23+$0xC0]  }
0x68: {  	v10 =	vld [tilespmem:s25+$0x80];
	v3 =	vadd.f32 v3, v5;
	v4 =	vadd.f32 v7, v4;
	v5 =	vmul.f32 v12, v11  }
0x69: {  	v7 =	vld [tilespmem:s23+$0x80]  }
0x6a: {  	v11 =	vld [tilespmem:s25+$0x90];
	v5 =	vadd.f32 v5, v6;
	(xrf2) =	vadd.scan.msk.f32 $0xffff, v3  }
0x6b: {  	v3 =	vld [tilespmem:s23+$0x90]  }
0x6c: {  	v6 =	vld [tilespmem:s25+$0xA0];
	v4 =	vadd.f32 v5, v4  }
0x6d: {  	v5 =	vld [tilespmem:s23+$0xA0]  }
0x6e: {  	v12 =	vld [tilespmem:s25+$0xB0];
	(xrf2) =	vadd.scan.msk.f32 $0xffff, v4  }
0x6f: {  	s24 =	sadd.s32 $0x4, s24;
	v4 =	vld [tilespmem:s23+$0xB0]  }
0x70: {  	p0 =	slt.u32 s24, $0x7C;
	v13 =	vld [tilespmem:s25+$0xD0];
	v15, _, _ =	vpop (xrf2)  }
0x71: {  	v17 =	vld [tilespmem:s23+$0xD0];
	v15 =	vbroadcast v15, $0xF  }
0x72: {  	v18 =	vld [tilespmem:s25+$0xF0]  }
0x73: {  	v7 =	vmul.f32 v7, v10;
	v3 =	vmul.f32 v3, v11;
	v10 =	vld [tilespmem:s23+$0xF0];
	[tilespmem:v2+s17+$0x0] =	vst.idx.msk $0x1, v15  }
0x74: {  	v2 =	vmul.f32 v5, v6;
	v11 =	vld [tilespmem:s23+$0xFFFFFF00];
	v4 =	vmul.f32 v4, v12;
	v5, _, _ =	vpop (xrf2)  }
0x75: {  	v8 =	vmul.f32 v8, v14;
	v6 =	vld [tilespmem:s25+$0xFFFFFF10];
	v14 =	vbroadcast v5, $0xF  }
0x76: {  	v2 =	vadd.f32 v2, v7;
	v12 =	vld [tilespmem:s23+$0xFFFFFF10];
	v3 =	vadd.f32 v4, v3;
	v4 =	vmul.f32 v17, v13  }
0x77: {  	v9 =	vmul.f32 v9, v16;
	v7 =	vld [tilespmem:s25+$0xFFFFFF20];
	[tilespmem:v1+s17+$0x0] =	vst.idx.msk $0x1, v14  }
0x78: {  	v2 =	vadd.f32 v8, v2;
	v1 =	vld [tilespmem:s23+$0xFFFFFF20];
	v3 =	vadd.f32 v4, v3;
	v4 =	vmul.f32 v10, v18;
	v5, _, _ =	vpop (xrf2)  }
0x79: {  	v8 =	vld [tilespmem:s25+$0xFFFFFF30];
	v5 =	vbroadcast v5, $0xF  }
0x7a: {  	v2 =	vadd.f32 v9, v2;
	v10 =	vld [tilespmem:s23+$0xFFFFFF30];
	v3 =	vadd.f32 v4, v3  }
0x7b: {  	v4 =	vmul.f32 v12, v6;
	v6 =	vld [tilespmem:s25+$0xFFFFFF80];
	[tilespmem:v0+s17+$0x0] =	vst.idx.msk $0x1, v5  }
0x7c: {  	v0 =	vld [tilespmem:s23+$0xFFFFFF80];
	v2 =	vadd.f32 v3, v2  }
0x7d: {  	v3 =	vmul.f32 v1, v7;
	v1 =	vld [tilespmem:s25+$0xFFFFFF90]  }
0x7e: {  	v5 =	vld [tilespmem:s23+$0xFFFFFF90];
	(xrf2) =	vadd.scan.msk.f32 $0xffff, v2  }
0x7f: {  	v2 =	vmul.f32 v10, v8;
	v7 =	vld [tilespmem:s25+$0xFFFFFFA0]  }
0x80: {  	v8 =	vld [tilespmem:s23+$0xFFFFFFA0]  }
0x81: {  	v4 =	vadd.f32 v2, v4;
	v0 =	vmul.f32 v0, v6;
	v2 =	vld [tilespmem:s25+$0xFFFFFFB0]  }
0x82: {  	v6 =	vld [tilespmem:s23+$0xFFFFFFB0]  }
0x83: {  	v1 =	vmul.f32 v5, v1;
	v5 =	vld [tilespmem:s25+$0x0]  }
0x84: {  	s26 =	sadd.s32 s26, s21;
	v9 =	vld [tilespmem:s23+$0x0]  }
0x85: {  	s28 =	sadd.s32 $0x4, s26;
	s29 =	sadd.s32 $0x5, s26;
	s30 =	sadd.s32 $0x7, s26;
	v7 =	vmul.f32 v8, v7;
	v8 =	vld [tilespmem:s25+$0x10]  }
0x86: {  	s26 =	sadd.s32 $0x6, s26;
	v14 =	vmov s30;
	v12 =	vmov s29;
	v10 =	vmov s28;
	v13 =	vld [tilespmem:s23+$0x10]  }
0x87: {  	v17 =	vmov s26;
	v7 =	vadd.f32 v7, v0;
	v0 =	vmul.f32 v6, v2;
	v6 =	vld [tilespmem:s25+$0x20]  }
0x88: {  	v16 =	vand.u32 $0xFFFFFFFE, v17;
	v12 =	vand.u32 $0xFFFFFFFD, v12;
	v10 =	vand.u32 $0xFFFFFFFC, v10;
	v15 =	vld [tilespmem:s23+$0x20];
	v2, _, _ =	vpop (xrf2)  }
0x89: {  	v17 =	vadd.f32 v0, v1;
	v5 =	vmul.f32 v9, v5;
	v9 =	vld [tilespmem:s25+$0x30];
	v18 =	vbroadcast v2, $0xF  }
0x8a: {  	v2 =	vbroadcast v10, $0x0;
	v1 =	vbroadcast v12, $0x0;
	v10 =	vld [tilespmem:s23+$0x30]  }
0x8b: {  	v0 =	vbroadcast v16, $0x0;
	v12 =	vld [tilespmem:s25+$0xFFFFFF00];
	v8 =	vmul.f32 v13, v8;
	[tilespmem:v14+s17+$0x0] =	vst.idx.msk $0x1, v18  }
0x8c: {  	v13 =	vld [tilespmem:s25+$0xFFFFFF40]  }
0x8d: {  	v14 =	vld [tilespmem:s23+$0xFFFFFF40];
	v6 =	vmul.f32 v15, v6  }
0x8e: {  	v15 =	vld [tilespmem:s25+$0xFFFFFF50]  }
0x8f: {  	v16 =	vld [tilespmem:s23+$0xFFFFFF50];
	v6 =	vadd.f32 v6, v5;
	v5 =	vmul.f32 v10, v9  }
0x90: {  	v9 =	vmul.f32 v11, v12;
	v10 =	vld [tilespmem:s25+$0xFFFFFFC0]  }
0x91: {  	v11 =	vld [tilespmem:s23+$0xFFFFFFC0];
	v8 =	vadd.f32 v5, v8  }
0x92: {  	v3 =	vadd.f32 v3, v9;
	v5 =	vmul.f32 v14, v13;
	v9 =	vld [tilespmem:s25+$0xFFFFFFD0]  }
0x93: {  	v12 =	vld [tilespmem:s23+$0xFFFFFFD0]  }
0x94: {  	v13 =	vadd.f32 v5, v3;
	v3 =	vmul.f32 v16, v15;
	v14 =	vld [tilespmem:s25+$0x40]  }
0x95: {  	v15 =	vld [tilespmem:s23+$0x40]  }
0x96: {  	v16 =	vadd.f32 v3, v4;
	v3 =	vmul.f32 v11, v10;
	v10 =	vld [tilespmem:s25+$0x50]  }
0x97: {  	v11 =	vld [tilespmem:s23+$0x50]  }
0x98: {  	v18 =	vld [tilespmem:s25+$0xFFFFFF60];
	v5 =	vadd.f32 v3, v7;
	v3 =	vmul.f32 v12, v9  }
0x99: {  	v7 =	vld [tilespmem:s23+$0xFFFFFF60]  }
0x9a: {  	v12 =	vld [tilespmem:s25+$0xFFFFFF70];
	v3 =	vadd.f32 v3, v17;
	v4 =	vmul.f32 v15, v14  }
0x9b: {  	v14 =	vld [tilespmem:s23+$0xFFFFFF70]  }
0x9c: {  	v17 =	vld [tilespmem:s25+$0xFFFFFFE0];
	v4 =	vadd.f32 v4, v6;
	v6 =	vmul.f32 v11, v10  }
0x9d: {  	v11 =	vld [tilespmem:s23+$0xFFFFFFE0]  }
0x9e: {  	v10 =	vmul.f32 v7, v18;
	v7 =	vld [tilespmem:s25+$0xFFFFFFF0];
	v6 =	vadd.f32 v6, v8  }
.Ltmp0:
0x9f: {  	v9 =	vld [tilespmem:s23+$0xFFFFFFF0];
	(pc) =	sbr.rel @p0 .LBB2_3-.Ltmp0, $4  }
0xa0: {  	v13 =	vadd.f32 v10, v13;
	v12 =	vmul.f32 v14, v12;
	v8 =	vld [tilespmem:s25+$0x60]  }
0xa1: {  	v10 =	vld [tilespmem:s23+$0x60]  }
0xa2: {  	v15 =	vadd.f32 v12, v16;
	v14 =	vmul.f32 v11, v17;
	v11 =	vld [tilespmem:s25+$0x70]  }
0xa3: {  	s25 =	sadd.s32 $0x200, s25;
	v12 =	vld [tilespmem:s23+$0x70]  }
0xa4: {  	_ =	sdelay $0x2  }
0xa5: {  	v7 =	vmul.f32 v9, v7  }
0xa6: {  	v9 =	vadd.f32 v15, v13;
	v8 =	vmul.f32 v10, v8;
	v10 =	vmul.f32 v12, v11  }
0xa7: {  	v5 =	vadd.f32 v14, v5;
	v3 =	vadd.f32 v7, v3  }
0xa8: {  	v4 =	vadd.f32 v8, v4;
	v6 =	vadd.f32 v10, v6  }
0xa9: {  	v3 =	vadd.f32 v3, v5  }
0xaa: {  	(xrf2) =	vadd.scan.msk.f32 $0xffff, v9;
	v4 =	vadd.f32 v6, v4  }
0xab: {  	(xrf2) =	vadd.scan.msk.f32 $0xffff, v3  }
0xac: {  	(xrf2) =	vadd.scan.msk.f32 $0xffff, v4;
	_ =	sdelay $0x7  }
0xad: {  	v3, _, _ =	vpop (xrf2)  }
0xae: {  	v3 =	vbroadcast v3, $0xF;
	v4, _, _ =	vpop (xrf2)  }
0xaf: {  	v4 =	vbroadcast v4, $0xF;
	v5, _, _ =	vpop (xrf2)  }
0xb0: {  	s23 =	sshll.u32 s22, $0x1;
	[tilespmem:v2+s17+$0x0] =	vst.idx.msk $0x1, v3;
	v2 =	vbroadcast v5, $0xF  }
0xb1: {  	p0 =	seq.s32 s22, $0x26;
	s23 =	sadd.s32 $0x2, s23;
	[tilespmem:v1+s17+$0x0] =	vst.idx.msk $0x1, v4  }
0xb2: {  	s25 =	simm.s32 @!p0 $0x80;
	s26 =	simm.s32 @!p0 $0x4F00;
	s24 =	sshll.u32 @!p0 s23, $0x7;
	[tilespmem:v0+s17+$0x0] =	vst.idx.msk $0x1, v2  }
0xb3: {  	[tilespmem:s26], [sflag:$0x1] =	stream.indirect.gather @!p0 [hbm4b:s1+s25], $0x80, s24, s25, $0xb8;
	[tilespmem:$0x17680] =	vst v63  }
0xb4: {  	s24 =	sadd.s32 @!p0 $0x2780, s24;
	s26 =	simm.s32 @!p0 $0xCF00  }
0xb5: {  	[tilespmem:s26], [sflag:$0x3] =	stream.indirect.gather @!p0 [hbm4b:s1+s25], $0x80, s24, s25, $0xb8;
	[tilespmem:$0x17680] =	vst v63  }
0xb6: {  	p0 =	sne.s32 s23, $0x4E  }
0xb7: {  	s23 =	simm.s32 @!p0 $0x10;
	s24 =	simm.s32 @!p0 $0x2700;
	s25 =	simm.s32 @!p0 $0x4F00  }
0xb8: {  	[tilespmem:s25], [sflag:$0x1] =	stream.indirect.gather @!p0 [hbm4b:s1+s23], $0x80, s24, s23, $0xb8;
	[tilespmem:$0x17680] =	vst v63  }
0xb9: {  	s24 =	simm.s32 @!p0 $0x4E80;
	s25 =	simm.s32 @!p0 $0xCF00  }
0xba: {  	[tilespmem:s25], [sflag:$0x3] =	stream.indirect.gather @!p0 [hbm4b:s1+s23], $0x80, s24, s23, $0xb8;
	[tilespmem:$0x17680] =	vst v63  }
0xbb: {  	_ =	swait.ge [sflag:s18], $0x4000  }
0xbc: {  	[sflag:s18] =	ssyncset.done $0x0  }
0xbd: {  	[sflag:s18] =	ssyncadd.s32 $0xFFFFC000  }
0xbe: {  	_ =	swait.ge [sflag:s19], $0x4000  }
0xbf: {  	[sflag:s19] =	ssyncset.done $0x0  }
0xc0: {  	s23 =	simm.s32 $0x0;
	[sflag:s19] =	ssyncadd.s32 $0xFFFFC000  }
0xc1: {  	v0 =	vld [tilespmem:s23+$0x90E0]  }
0xc2: {  	v1 =	vld [tilespmem:s23+$0x110E0]  }
0xc3: {  	v2 =	vld [tilespmem:s23+$0x90C0]  }
0xc4: {  	v3 =	vld [tilespmem:s23+$0x110C0]  }
0xc5: {  	v4 =	vld [tilespmem:s23+$0x9080]  }
0xc6: {  	v5 =	vld [tilespmem:s23+$0x11080]  }
0xc7: {  	v6 =	vld [tilespmem:s23+$0x9090]  }
0xc8: {  	v7 =	vld [tilespmem:s23+$0x11090]  }
0xc9: {  	v8 =	vld [tilespmem:s23+$0x90A0]  }
0xca: {  	v9 =	vld [tilespmem:s23+$0x110A0]  }
0xcb: {  	v10 =	vld [tilespmem:s23+$0x90B0]  }
0xcc: {  	v11 =	vld [tilespmem:s23+$0x110B0]  }
0xcd: {  	v12 =	vld [tilespmem:s23+$0x90D0]  }
0xce: {  	v13 =	vld [tilespmem:s23+$0x110D0]  }
0xcf: {  	v14 =	vld [tilespmem:s23+$0x90F0]  }
0xd0: {  	v15 =	vld [tilespmem:s23+$0x110F0]  }
0xd1: {  	v16 =	vld [tilespmem:s23+$0x8F00]  }
0xd2: {  	v17 =	vld [tilespmem:s23+$0x10F00]  }
0xd3: {  	v18 =	vld [tilespmem:s23+$0x8F10]  }
0xd4: {  	v19 =	vld [tilespmem:s23+$0x10F10]  }
0xd5: {  	v20 =	vld [tilespmem:s23+$0x8F20]  }
0xd6: {  	v21 =	vld [tilespmem:s23+$0x10F20]  }
0xd7: {  	v22 =	vld [tilespmem:s23+$0x8F30]  }
0xd8: {  	v23 =	vld [tilespmem:s23+$0x10F30]  }
0xd9: {  	v24 =	vld [tilespmem:s23+$0x8F80]  }
0xda: {  	v25 =	vld [tilespmem:s23+$0x10F80]  }
0xdb: {  	v26 =	vld [tilespmem:s23+$0x8F90]  }
0xdc: {  	v27 =	vld [tilespmem:s23+$0x10F90]  }
0xdd: {  	v28 =	vld [tilespmem:s23+$0x8FA0]  }
0xde: {  	v29 =	vld [tilespmem:s23+$0x10FA0]  }
0xdf: {  	v30 =	vld [tilespmem:s23+$0x8FB0]  }
0xe0: {  	v31 =	vld [tilespmem:s23+$0x10FB0]  }
0xe1: {  	v32 =	vld [tilespmem:s23+$0x9000]  }
0xe2: {  	v33 =	vld [tilespmem:s23+$0x11000]  }
0xe3: {  	v34 =	vld [tilespmem:s23+$0x9010]  }
0xe4: {  	v35 =	vld [tilespmem:s23+$0x11010]  }
0xe5: {  	v36 =	vld [tilespmem:s23+$0x9020]  }
0xe6: {  	v53 =	vld [tilespmem:s23+$0x9040]  }
0xe7: {  	v56 =	vld [tilespmem:s23+$0x11040]  }
0xe8: {  	v58 =	vld [tilespmem:s23+$0x9050]  }
0xe9: {  	v59 =	vld [tilespmem:s23+$0x10F60];
	v4 =	vmul.f32 v5, v4;
	v5 =	vmul.f32 v7, v6  }
0xea: {  	v62 =	vld [tilespmem:s23+$0x8FE0];
	v7 =	vmul.f32 v9, v8;
	v8 =	vmul.f32 v11, v10  }
0xeb: {  	v6 =	vld [tilespmem:s23+$0x11020];
	v2 =	vmul.f32 v3, v2  }
0xec: {  	v9 =	vld [tilespmem:s23+$0x9030];
	v4 =	vadd.f32 v7, v4;
	v5 =	vadd.f32 v8, v5;
	v7 =	vmul.f32 v13, v12  }
0xed: {  	v3 =	vld [tilespmem:s23+$0x11030];
	v0 =	vmul.f32 v1, v0  }
0xee: {  	v1 =	vld [tilespmem:s23+$0x10F40];
	v2 =	vadd.f32 v2, v4;
	v4 =	vadd.f32 v7, v5;
	v5 =	vmul.f32 v15, v14  }
0xef: {  	v10 =	vld [tilespmem:s23+$0x10F50]  }
0xf0: {  	v8 =	vld [tilespmem:s23+$0x8F40];
	v0 =	vadd.f32 v0, v2;
	v2 =	vadd.f32 v5, v4  }
0xf1: {  	v11 =	vmul.f32 v17, v16;
	v7 =	vld [tilespmem:s23+$0x8F50]  }
0xf2: {  	v52 =	vmul.f32 v27, v26;
	v54 =	vmul.f32 v29, v28;
	v15 =	vld [tilespmem:s23+$0x10FD0];
	v0 =	vadd.f32 v2, v0  }
0xf3: {  	v55 =	vmul.f32 v31, v30;
	v13 =	vmul.f32 v21, v20;
	v4 =	vld [tilespmem:s23+$0x8FC0]  }
0xf4: {  	s28 =	sadd.s32 $0xFFFFFFFC, s21;
	v57 =	vmul.f32 v35, v34;
	v12 =	vmul.f32 v19, v18;
	v5 =	vld [tilespmem:s23+$0x10FC0];
	(xrf2) =	vadd.scan.msk.f32 $0xffff, v0  }
0xf5: {  	s30 =	sadd.s32 $0x87, s28;
	v14 =	vmul.f32 v23, v22;
	v11 =	vadd.f32 v13, v11;
	v13 =	vmul.f32 v33, v32;
	v2 =	vld [tilespmem:s23+$0x8FD0]  }
0xf6: {  	v60 =	vmov s30;
	v63 =	vld [tilespmem:s23+$0x10FE0];
	v6 =	vmul.f32 v6, v36;
	v3 =	vmul.f32 v3, v9  }
0xf7: {  	v9 =	vld [tilespmem:s23+$0x11050];
	v12 =	vadd.f32 v14, v12;
	v14 =	vadd.f32 v55, v52;
	v1 =	vmul.f32 v1, v8  }
0xf8: {  	v8 =	vld [tilespmem:s23+$0x8F60];
	v6 =	vadd.f32 v6, v13;
	v13 =	vadd.f32 v3, v57;
	v3 =	vmul.f32 v10, v7  }
0xf9: {  	s29 =	sadd.s32 $0x84, s28;
	v11 =	vadd.f32 v1, v11;
	v10 =	vld [tilespmem:s23+$0x8F70];
	v0 =	vmul.f32 v25, v24;
	v4 =	vmul.f32 v5, v4  }
0xfa: {  	v1 =	vmov s29;
	v5 =	vmul.f32 v56, v53;
	v2 =	vmul.f32 v15, v2;
	v15 =	vld [tilespmem:s23+$0x10F70]  }
0xfb: {  	s31 =	sadd.s32 $0x85, s28;
	v1 =	vand.u32 $0xFFFFFFFC, v1;
	v61 =	vadd.f32 v3, v12;
	v0 =	vadd.f32 v54, v0  }
0xfc: {  	s24 =	sadd.s32 $0x86, s28;
	v12 =	vmov s31;
	v5 =	vadd.f32 v5, v6;
	v6 =	vmul.f32 v9, v58  }
0xfd: {  	v7 =	vld [tilespmem:s23+$0x8FF0];
	v16 =	vmul.f32 v59, v8;
	v3 =	vadd.f32 v4, v0;
	v0 =	vmov s24  }
0xfe: {  	v8 =	vld [tilespmem:s23+$0x10FF0];
	v4 =	vadd.f32 v2, v14;
	v6 =	vadd.f32 v6, v13;
	v13 =	vmul.f32 v63, v62;
	v2, _, _ =	vpop (xrf2)  }
0xff: {  	v9 =	vld [tilespmem:s23+$0x9060];
	v0 =	vand.u32 $0xFFFFFFFE, v0;
	v15 =	vmul.f32 v15, v10;
	v14 =	vbroadcast v2, $0xF  }
0x100: {  	v12 =	vand.u32 $0xFFFFFFFD, v12;
	v0 =	vbroadcast v0, $0x0;
	v10 =	vld [tilespmem:s23+$0x11060];
	v2 =	vbroadcast v1, $0x0  }
0x101: {  	s25 =	simm.s32 $0x800;
	s24 =	simm.s32 $0x0;
	v1 =	vbroadcast v12, $0x0;
	v12 =	vadd.f32 v16, v11;
	v11 =	vld [tilespmem:s23+$0x9070];
	[tilespmem:v60+s17+$0x0] =	vst.idx.msk $0x1, v14;
	v14 =	vadd.f32 v15, v61  }
.LBB2_5:
0x102: {  	v15 =	vld [tilespmem:s23+$0x11070];
	s23 =	sshra.s32 s25, $0x2;
	s26 =	smov.u32 s24  }
0x103: {  	v16 =	vld [tilespmem:s23+$0x90E0];
	v12 =	vadd.f32 v14, v12;
	v3 =	vadd.f32 v13, v3;
	v7 =	vmul.f32 v8, v7  }
0x104: {  	v8 =	vld [tilespmem:s23+$0x110E0]  }
0x105: {  	v13 =	vld [tilespmem:s23+$0x90C0];
	v4 =	vadd.f32 v7, v4;
	v7 =	vmul.f32 v10, v9;
	(xrf2) =	vadd.scan.msk.f32 $0xffff, v12  }
0x106: {  	v9 =	vld [tilespmem:s23+$0x110C0]  }
0x107: {  	v10 =	vld [tilespmem:s23+$0x9080];
	v3 =	vadd.f32 v4, v3;
	v4 =	vadd.f32 v7, v5;
	v5 =	vmul.f32 v15, v11  }
0x108: {  	v7 =	vld [tilespmem:s23+$0x11080]  }
0x109: {  	v11 =	vld [tilespmem:s23+$0x9090];
	v5 =	vadd.f32 v5, v6;
	(xrf2) =	vadd.scan.msk.f32 $0xffff, v3  }
0x10a: {  	v3 =	vld [tilespmem:s23+$0x11090]  }
0x10b: {  	v6 =	vld [tilespmem:s23+$0x90A0];
	v4 =	vadd.f32 v5, v4  }
0x10c: {  	v5 =	vld [tilespmem:s23+$0x110A0]  }
0x10d: {  	s24 =	sadd.s32 $0x4, s24;
	v12 =	vld [tilespmem:s23+$0x90B0];
	(xrf2) =	vadd.scan.msk.f32 $0xffff, v4  }
0x10e: {  	p0 =	slt.u32 s24, $0x7C;
	v4 =	vld [tilespmem:s23+$0x110B0]  }
0x10f: {  	v14 =	vld [tilespmem:s23+$0x90D0];
	v15, _, _ =	vpop (xrf2)  }
0x110: {  	v17 =	vld [tilespmem:s23+$0x110D0];
	v15 =	vbroadcast v15, $0xF  }
0x111: {  	v18 =	vld [tilespmem:s23+$0x90F0]  }
0x112: {  	v7 =	vmul.f32 v7, v10;
	v3 =	vmul.f32 v3, v11;
	v10 =	vld [tilespmem:s23+$0x110F0];
	[tilespmem:v2+s17+$0x0] =	vst.idx.msk $0x1, v15  }
0x113: {  	v5 =	vmul.f32 v5, v6;
	v2 =	vld [tilespmem:s23+$0x8F00];
	v4 =	vmul.f32 v4, v12;
	v6, _, _ =	vpop (xrf2)  }
0x114: {  	v9 =	vmul.f32 v9, v13;
	v11 =	vld [tilespmem:s23+$0x10F00];
	v13 =	vbroadcast v6, $0xF  }
0x115: {  	v5 =	vadd.f32 v5, v7;
	v12 =	vld [tilespmem:s23+$0x8F10];
	v3 =	vadd.f32 v4, v3;
	v4 =	vmul.f32 v17, v14  }
0x116: {  	v8 =	vmul.f32 v8, v16;
	v7 =	vld [tilespmem:s23+$0x10F10];
	[tilespmem:v1+s17+$0x0] =	vst.idx.msk $0x1, v13  }
0x117: {  	v5 =	vadd.f32 v9, v5;
	v1 =	vld [tilespmem:s23+$0x8F20];
	v3 =	vadd.f32 v4, v3;
	v4 =	vmul.f32 v10, v18;
	v6, _, _ =	vpop (xrf2)  }
0x118: {  	v9 =	vld [tilespmem:s23+$0x10F20];
	v6 =	vbroadcast v6, $0xF  }
0x119: {  	v5 =	vadd.f32 v8, v5;
	v2 =	vmul.f32 v11, v2;
	v10 =	vld [tilespmem:s23+$0x8F30];
	v3 =	vadd.f32 v4, v3  }
0x11a: {  	v4 =	vld [tilespmem:s23+$0x10F30];
	[tilespmem:v0+s17+$0x0] =	vst.idx.msk $0x1, v6  }
0x11b: {  	v0 =	vmul.f32 v7, v12;
	v6 =	vld [tilespmem:s23+$0x8F80];
	v3 =	vadd.f32 v3, v5  }
0x11c: {  	v5 =	vld [tilespmem:s23+$0x10F80]  }
0x11d: {  	v1 =	vmul.f32 v9, v1;
	v7 =	vld [tilespmem:s23+$0x8F90];
	(xrf2) =	vadd.scan.msk.f32 $0xffff, v3  }
0x11e: {  	v3 =	vld [tilespmem:s23+$0x10F90]  }
0x11f: {  	v8 =	vadd.f32 v1, v2;
	v1 =	vmul.f32 v4, v10;
	v2 =	vld [tilespmem:s23+$0x8FA0]  }
0x120: {  	v4 =	vld [tilespmem:s23+$0x10FA0]  }
0x121: {  	v9 =	vadd.f32 v1, v0;
	v0 =	vmul.f32 v5, v6;
	v1 =	vld [tilespmem:s23+$0x8FB0]  }
0x122: {  	v5 =	vld [tilespmem:s23+$0x10FB0]  }
0x123: {  	s26 =	sadd.s32 s26, s21;
	v3 =	vmul.f32 v3, v7;
	v6 =	vld [tilespmem:s23+$0x9000]  }
0x124: {  	s28 =	sadd.s32 $0x84, s26;
	s29 =	sadd.s32 $0x85, s26;
	s30 =	sadd.s32 $0x87, s26;
	v7 =	vld [tilespmem:s23+$0x11000]  }
0x125: {  	s26 =	sadd.s32 $0x86, s26;
	v11 =	vmov s30;
	v10 =	vmov s28;
	v2 =	vmul.f32 v4, v2;
	v4 =	vld [tilespmem:s23+$0x9010]  }
0x126: {  	v16 =	vmov s29;
	v14 =	vmov s26;
	v10 =	vand.u32 $0xFFFFFFFC, v10;
	v13 =	vld [tilespmem:s23+$0x11010]  }
0x127: {  	v15 =	vadd.f32 v2, v0;
	v0 =	vmul.f32 v5, v1;
	v1 =	vand.u32 $0xFFFFFFFD, v16;
	v5 =	vld [tilespmem:s23+$0x9020];
	v12, _, _ =	vpop (xrf2)  }
0x128: {  	v14 =	vand.u32 $0xFFFFFFFE, v14;
	v2 =	vbroadcast v10, $0x0;
	v10 =	vld [tilespmem:s23+$0x11020];
	v12 =	vbroadcast v12, $0xF  }
0x129: {  	v1 =	vbroadcast v1, $0x0;
	v16 =	vadd.f32 v0, v3;
	v3 =	vmul.f32 v7, v6;
	v6 =	vld [tilespmem:s23+$0x9030]  }
0x12a: {  	v0 =	vbroadcast v14, $0x0;
	v7 =	vld [tilespmem:s23+$0x11030];
	[tilespmem:v11+s17+$0x0] =	vst.idx.msk $0x1, v12  }
0x12b: {  	v11 =	vld [tilespmem:s23+$0x8F40];
	v4 =	vmul.f32 v13, v4  }
0x12c: {  	v12 =	vld [tilespmem:s23+$0x10F40]  }
0x12d: {  	v13 =	vld [tilespmem:s23+$0x8F50];
	v5 =	vmul.f32 v10, v5  }
0x12e: {  	v10 =	vld [tilespmem:s23+$0x10F50]  }
0x12f: {  	v14 =	vld [tilespmem:s23+$0x8FC0];
	v5 =	vadd.f32 v5, v3;
	v3 =	vmul.f32 v7, v6  }
0x130: {  	v6 =	vld [tilespmem:s23+$0x10FC0]  }
0x131: {  	v7 =	vmul.f32 v12, v11;
	v11 =	vld [tilespmem:s23+$0x8FD0];
	v12 =	vadd.f32 v3, v4  }
0x132: {  	v4 =	vld [tilespmem:s23+$0x10FD0]  }
0x133: {  	v17 =	vadd.f32 v7, v8;
	v3 =	vmul.f32 v10, v13;
	v7 =	vld [tilespmem:s23+$0x9040]  }
0x134: {  	v8 =	vld [tilespmem:s23+$0x11040]  }
0x135: {  	v13 =	vadd.f32 v3, v9;
	v3 =	vmul.f32 v6, v14;
	v6 =	vld [tilespmem:s23+$0x9050]  }
0x136: {  	v9 =	vld [tilespmem:s23+$0x11050]  }
0x137: {  	v10 =	vld [tilespmem:s23+$0x8F60];
	v3 =	vadd.f32 v3, v15;
	v4 =	vmul.f32 v4, v11  }
0x138: {  	v11 =	vld [tilespmem:s23+$0x10F60]  }
0x139: {  	v14 =	vld [tilespmem:s23+$0x8F70];
	v4 =	vadd.f32 v4, v16;
	v7 =	vmul.f32 v8, v7  }
0x13a: {  	v15 =	vld [tilespmem:s23+$0x10F70]  }
0x13b: {  	v16 =	vld [tilespmem:s23+$0x8FE0];
	v5 =	vadd.f32 v7, v5;
	v6 =	vmul.f32 v9, v6  }
0x13c: {  	v18 =	vld [tilespmem:s23+$0x10FE0]  }
.Ltmp1:
0x13d: {  	v9 =	vmul.f32 v11, v10;
	v7 =	vld [tilespmem:s23+$0x8FF0];
	v6 =	vadd.f32 v6, v12;
	(pc) =	sbr.rel @p0 .LBB2_5-.Ltmp1, $4  }
0x13e: {  	v8 =	vld [tilespmem:s23+$0x10FF0]  }
0x13f: {  	v12 =	vadd.f32 v9, v17;
	v11 =	vmul.f32 v15, v14;
	v9 =	vld [tilespmem:s23+$0x9060]  }
0x140: {  	v10 =	vld [tilespmem:s23+$0x11060]  }
0x141: {  	s25 =	sadd.s32 $0x800, s25;
	v14 =	vadd.f32 v11, v13;
	v13 =	vmul.f32 v18, v16;
	v11 =	vld [tilespmem:s23+$0x9070]  }
0x142: {  	v15 =	vld [tilespmem:s23+$0x11070];
	_ =	sdelay $0x3  }
0x143: {  	v7 =	vmul.f32 v8, v7  }
0x144: {  	v57 =	vadd.f32 v14, v12;
	v9 =	vmul.f32 v10, v9;
	v58 =	vmul.f32 v15, v11  }
0x145: {  	v3 =	vadd.f32 v13, v3;
	v4 =	vadd.f32 v7, v4  }
0x146: {  	v5 =	vadd.f32 v9, v5;
	v6 =	vadd.f32 v58, v6  }
0x147: {  	v3 =	vadd.f32 v4, v3  }
0x148: {  	(xrf2) =	vadd.scan.msk.f32 $0xffff, v57;
	v59 =	vadd.f32 v6, v5  }
0x149: {  	(xrf2) =	vadd.scan.msk.f32 $0xffff, v3  }
0x14a: {  	(xrf2) =	vadd.scan.msk.f32 $0xffff, v59;
	_ =	sdelay $0x6  }
0x14b: {  	s22 =	sadd.s32 $0x1, s22  }
0x14c: {  	p0 =	sne.s32 s22, $0x27;
	v60, _, _ =	vpop (xrf2)  }
.Ltmp2:
0x14d: {  	v3 =	vbroadcast v60, $0xF;
	v61, _, _ =	vpop (xrf2);
	(pc) =	sbr.rel @p0 .LBB2_2-.Ltmp2, $4  }
0x14e: {  	v4 =	vbroadcast v61, $0xF;
	v62, _, _ =	vpop (xrf2)  }
0x14f: {  	[tilespmem:v2+s17+$0x0] =	vst.idx.msk $0x1, v3;
	v63 =	vbroadcast v62, $0xF  }
0x150: {  	[tilespmem:v1+s17+$0x0] =	vst.idx.msk $0x1, v4  }
0x151: {  	s21 =	sadd.s32 $0x100, s21;
	[tilespmem:v0+s17+$0x0] =	vst.idx.msk $0x1, v63  }
0x152: {  	_ =	swait.ge [sflag:s15], $0x800  }
0x153: {  	[sflag:s15] =	ssyncset.done $0x0  }
0x154: {  	[sflag:s15] =	ssyncadd.s32 $0xFFFFF800  }
0x155: {  	_ =	swait.ge [sflag:s16], $0x800  }
0x156: {  	[sflag:s16] =	ssyncset.done $0x0  }
0x157: {  	s22 =	simm.s32 $0x5000;
	[sflag:s16] =	ssyncadd.s32 $0xFFFFF800  }
0x158: {  	s21 =	simm.s32 $0xD000;
	v0 =	vld [tilespmem:s22+$0xE0]  }
0x159: {  	v1 =	vld [tilespmem:s21+$0xE0]  }
0x15a: {  	v2 =	vld [tilespmem:s22+$0xC0]  }
0x15b: {  	v3 =	vld [tilespmem:s21+$0xC0]  }
0x15c: {  	v4 =	vld [tilespmem:s22+$0x80]  }
0x15d: {  	v5 =	vld [tilespmem:s21+$0x80]  }
0x15e: {  	v6 =	vld [tilespmem:s22+$0x90]  }
0x15f: {  	v7 =	vld [tilespmem:s21+$0x90]  }
0x160: {  	v8 =	vld [tilespmem:s22+$0xA0]  }
0x161: {  	v9 =	vld [tilespmem:s21+$0xA0]  }
0x162: {  	v10 =	vld [tilespmem:s22+$0xB0]  }
0x163: {  	v11 =	vld [tilespmem:s21+$0xB0]  }
0x164: {  	v12 =	vld [tilespmem:s22+$0xD0]  }
0x165: {  	v13 =	vld [tilespmem:s21+$0xD0]  }
0x166: {  	v14 =	vld [tilespmem:s22+$0xF0]  }
0x167: {  	v15 =	vld [tilespmem:s21+$0xF0]  }
0x168: {  	v16 =	vld [tilespmem:s21+$0xFFFFFF00]  }
0x169: {  	v17 =	vld [tilespmem:s22+$0xFFFFFF10]  }
0x16a: {  	v18 =	vld [tilespmem:s21+$0xFFFFFF10]  }
0x16b: {  	v19 =	vld [tilespmem:s22+$0xFFFFFF20]  }
0x16c: {  	v20 =	vld [tilespmem:s21+$0xFFFFFF20]  }
0x16d: {  	v21 =	vld [tilespmem:s22+$0xFFFFFF30]  }
0x16e: {  	v22 =	vld [tilespmem:s21+$0xFFFFFF30]  }
0x16f: {  	v23 =	vld [tilespmem:s22+$0xFFFFFF80]  }
0x170: {  	v24 =	vld [tilespmem:s21+$0xFFFFFF80]  }
0x171: {  	v25 =	vld [tilespmem:s22+$0xFFFFFF90]  }
0x172: {  	v26 =	vld [tilespmem:s21+$0xFFFFFF90]  }
0x173: {  	v27 =	vld [tilespmem:s22+$0xFFFFFFA0]  }
0x174: {  	v28 =	vld [tilespmem:s21+$0xFFFFFFA0]  }
0x175: {  	v29 =	vld [tilespmem:s22+$0xFFFFFFB0]  }
0x176: {  	v30 =	vld [tilespmem:s21+$0xFFFFFFB0]  }
0x177: {  	v31 =	vld [tilespmem:s22+$0x0]  }
0x178: {  	v32 =	vld [tilespmem:s21+$0x0]  }
0x179: {  	v33 =	vld [tilespmem:s22+$0x10]  }
0x17a: {  	v34 =	vld [tilespmem:s21+$0x10]  }
0x17b: {  	v35 =	vld [tilespmem:s22+$0x20]  }
0x17c: {  	v36 =	vld [tilespmem:s21+$0x20]  }
0x17d: {  	v37 =	vld [tilespmem:s22+$0x30];
	v4 =	vmul.f32 v5, v4;
	v5 =	vmul.f32 v7, v6  }
0x17e: {  	v51 =	vld [tilespmem:s21+$0x50];
	v7 =	vmul.f32 v9, v8;
	v8 =	vmul.f32 v11, v10  }
0x17f: {  	v54 =	vld [tilespmem:s22+$0xFFFFFF60];
	v2 =	vmul.f32 v3, v2  }
0x180: {  	v58 =	vld [tilespmem:s22+$0xFFFFFF70];
	v4 =	vadd.f32 v7, v4;
	v5 =	vadd.f32 v8, v5;
	v7 =	vmul.f32 v13, v12  }
0x181: {  	v6 =	vld [tilespmem:s21+$0x30];
	v0 =	vmul.f32 v1, v0  }
0x182: {  	v9 =	vld [tilespmem:s22+$0xFFFFFF00];
	v2 =	vadd.f32 v2, v4;
	v4 =	vadd.f32 v7, v5;
	v5 =	vmul.f32 v15, v14  }
0x183: {  	v3 =	vld [tilespmem:s22+$0xFFFFFF40]  }
0x184: {  	v1 =	vld [tilespmem:s22+$0xFFFFFF50];
	v0 =	vadd.f32 v0, v2;
	v2 =	vadd.f32 v5, v4  }
0x185: {  	v10 =	vld [tilespmem:s22+$0xFFFFFFC0]  }
0x186: {  	v11 =	vld [tilespmem:s22+$0x40];
	v0 =	vadd.f32 v2, v0  }
0x187: {  	v8 =	vld [tilespmem:s21+$0xFFFFFF40]  }
0x188: {  	v13 =	vld [tilespmem:s22+$0x50];
	(xrf2) =	vadd.scan.msk.f32 $0xffff, v0  }
0x189: {  	v52 =	vmul.f32 v24, v23;
	v53 =	vmul.f32 v28, v27;
	v7 =	vld [tilespmem:s21+$0xFFFFFF50]  }
0x18a: {  	v55 =	vmul.f32 v30, v29;
	v57 =	vmul.f32 v32, v31;
	v4 =	vld [tilespmem:s21+$0xFFFFFFC0]  }
0x18b: {  	v59 =	vmul.f32 v34, v33;
	v60 =	vmul.f32 v36, v35;
	v5 =	vld [tilespmem:s22+$0xFFFFFFD0]  }
0x18c: {  	s23 =	simm.s32 $0x2703;
	v14 =	vmul.f32 v20, v19;
	v9 =	vmul.f32 v16, v9;
	v2 =	vld [tilespmem:s21+$0xFFFFFFD0]  }
0x18d: {  	v62 =	vmov s23;
	v12 =	vmul.f32 v18, v17;
	v15 =	vmul.f32 v22, v21;
	v0 =	vld [tilespmem:s21+$0x40]  }
0x18e: {  	v61 =	vld [tilespmem:s21+$0xFFFFFF70];
	v18 =	vadd.f32 v53, v52;
	v9 =	vadd.f32 v14, v9;
	v3 =	vmul.f32 v8, v3  }
0x18f: {  	v56 =	vld [tilespmem:s21+$0xFFFFFF60];
	v6 =	vmul.f32 v6, v37;
	v12 =	vadd.f32 v15, v12;
	v1 =	vmul.f32 v7, v1  }
0x190: {  	v63 =	vld [tilespmem:s21+$0xFFFFFFE0];
	v15 =	vmul.f32 v26, v25;
	v9 =	vadd.f32 v3, v9;
	v3 =	vmul.f32 v4, v10  }
0x191: {  	v14 =	vld [tilespmem:s22+$0xFFFFFFE0];
	v7 =	vadd.f32 v6, v59;
	v12 =	vadd.f32 v1, v12;
	v1 =	vmul.f32 v2, v5  }
0x192: {  	v6 =	vld [tilespmem:s21+$0xFFFFFFF0];
	v10 =	vmul.f32 v0, v11;
	v0 =	vadd.f32 v3, v18;
	v3 =	vmul.f32 v51, v13;
	v2, _, _ =	vpop (xrf2)  }
0x193: {  	v4 =	vld [tilespmem:s22+$0xFFFFFFF0];
	v13 =	vmul.f32 v61, v58;
	v2 =	vbroadcast v2, $0xF  }
0x194: {  	v19 =	vadd.f32 v60, v57;
	v8 =	vld [tilespmem:s21+$0x60];
	v15 =	vadd.f32 v55, v15;
	v11 =	vmul.f32 v56, v54  }
0x195: {  	v5 =	vld [tilespmem:s22+$0x60];
	v3 =	vadd.f32 v3, v7;
	v12 =	vadd.f32 v13, v12;
	[tilespmem:v62+s17+$0x0] =	vst.idx.msk $0x1, v2  }
0x196: {  	v7 =	vld [tilespmem:s22+$0x70];
	v2 =	vadd.f32 v10, v19;
	v10 =	vadd.f32 v11, v9;
	v11 =	vmul.f32 v63, v14  }
0x197: {  	s24 =	simm.s32 $0x5200;
	s23 =	simm.s32 $0x0;
	v1 =	vadd.f32 v1, v15;
	s22 =	simm.s32 $0xFFFFFFFC;
	v9 =	vld [tilespmem:s21+$0x70]  }
.LBB2_8:
0x198: {  	v13 =	vld [tilespmem:s24+$0xE0];
	v10 =	vadd.f32 v12, v10;
	v0 =	vadd.f32 v11, v0;
	v4 =	vmul.f32 v6, v4;
	s21 =	sadd.s32 $0x200, s21  }
0x199: {  	v6 =	vld [tilespmem:s21+$0xE0]  }
0x19a: {  	v11 =	vld [tilespmem:s24+$0xC0];
	v1 =	vadd.f32 v4, v1;
	v4 =	vmul.f32 v8, v5;
	(xrf2) =	vadd.scan.msk.f32 $0xffff, v10  }
0x19b: {  	v5 =	vld [tilespmem:s21+$0xC0]  }
0x19c: {  	v8 =	vld [tilespmem:s24+$0x80];
	v0 =	vadd.f32 v1, v0;
	v1 =	vadd.f32 v4, v2;
	v2 =	vmul.f32 v9, v7  }
0x19d: {  	v4 =	vld [tilespmem:s21+$0x80]  }
0x19e: {  	s25 =	sadd.s32 $0x2704, s22;
	v7 =	vld [tilespmem:s24+$0x90];
	v2 =	vadd.f32 v2, v3;
	(xrf2) =	vadd.scan.msk.f32 $0xffff, v0  }
0x19f: {  	v3 =	vmov s25;
	v0 =	vld [tilespmem:s21+$0x90]  }
0x1a0: {  	v3 =	vand.u32 $0xFFFFFFFC, v3;
	v9 =	vld [tilespmem:s24+$0xA0];
	v1 =	vadd.f32 v2, v1  }
0x1a1: {  	v3 =	vbroadcast v3, $0x0;
	v2 =	vld [tilespmem:s21+$0xA0]  }
0x1a2: {  	s25 =	sadd.s32 $0x2705, s22;
	v10 =	vld [tilespmem:s24+$0xB0];
	(xrf2) =	vadd.scan.msk.f32 $0xffff, v1  }
0x1a3: {  	v12 =	vmov s25;
	s25 =	sadd.s32 $0x2706, s22;
	s22 =	smov.u32 s23;
	s23 =	sadd.s32 $0x4, s23;
	v1 =	vld [tilespmem:s21+$0xB0]  }
0x1a4: {  	p0 =	slt.u32 s23, $0xC;
	v12 =	vand.u32 $0xFFFFFFFD, v12;
	v15 =	vmov s25;
	v14 =	vld [tilespmem:s24+$0xD0];
	v16, _, _ =	vpop (xrf2)  }
0x1a5: {  	v12 =	vbroadcast v12, $0x0;
	v15 =	vand.u32 $0xFFFFFFFE, v15;
	v17 =	vld [tilespmem:s21+$0xD0];
	v16 =	vbroadcast v16, $0xF  }
0x1a6: {  	v15 =	vbroadcast v15, $0x0;
	v18 =	vld [tilespmem:s24+$0xF0]  }
0x1a7: {  	v4 =	vmul.f32 v4, v8;
	v0 =	vmul.f32 v0, v7;
	v7 =	vld [tilespmem:s21+$0xF0];
	[tilespmem:v3+s17+$0x0] =	vst.idx.msk $0x1, v16  }
0x1a8: {  	v2 =	vmul.f32 v2, v9;
	v3 =	vld [tilespmem:s21+$0xFFFFFF00];
	v1 =	vmul.f32 v1, v10;
	v8, _, _ =	vpop (xrf2)  }
0x1a9: {  	v11 =	vmul.f32 v5, v11;
	v9 =	vld [tilespmem:s24+$0xFFFFFF10];
	v8 =	vbroadcast v8, $0xF  }
0x1aa: {  	v2 =	vadd.f32 v2, v4;
	v10 =	vld [tilespmem:s21+$0xFFFFFF10];
	v0 =	vadd.f32 v1, v0;
	v1 =	vmul.f32 v17, v14  }
0x1ab: {  	v6 =	vmul.f32 v6, v13;
	v4 =	vld [tilespmem:s24+$0xFFFFFF20];
	[tilespmem:v12+s17+$0x0] =	vst.idx.msk $0x1, v8  }
0x1ac: {  	v2 =	vadd.f32 v11, v2;
	v8 =	vld [tilespmem:s21+$0xFFFFFF20];
	v0 =	vadd.f32 v1, v0;
	v1 =	vmul.f32 v7, v18;
	v5, _, _ =	vpop (xrf2)  }
0x1ad: {  	v7 =	vld [tilespmem:s24+$0xFFFFFF30];
	v5 =	vbroadcast v5, $0xF  }
0x1ae: {  	v2 =	vadd.f32 v6, v2;
	v11 =	vld [tilespmem:s21+$0xFFFFFF30];
	v0 =	vadd.f32 v1, v0  }
0x1af: {  	v1 =	vmul.f32 v10, v9;
	v6 =	vld [tilespmem:s24+$0xFFFFFF80];
	[tilespmem:v15+s17+$0x0] =	vst.idx.msk $0x1, v5  }
0x1b0: {  	v5 =	vld [tilespmem:s21+$0xFFFFFF80];
	v0 =	vadd.f32 v0, v2  }
0x1b1: {  	v2 =	vmul.f32 v8, v4;
	v4 =	vld [tilespmem:s24+$0xFFFFFF90]  }
0x1b2: {  	v8 =	vld [tilespmem:s21+$0xFFFFFF90];
	(xrf2) =	vadd.scan.msk.f32 $0xffff, v0  }
0x1b3: {  	v0 =	vmul.f32 v11, v7;
	v7 =	vld [tilespmem:s24+$0xFFFFFFA0]  }
0x1b4: {  	v9 =	vld [tilespmem:s21+$0xFFFFFFA0]  }
0x1b5: {  	v0 =	vadd.f32 v0, v1;
	v1 =	vmul.f32 v5, v6;
	v5 =	vld [tilespmem:s24+$0xFFFFFFB0]  }
0x1b6: {  	v6 =	vld [tilespmem:s21+$0xFFFFFFB0]  }
0x1b7: {  	v4 =	vmul.f32 v8, v4;
	v8 =	vld [tilespmem:s24+$0x0]  }
0x1b8: {  	v10 =	vld [tilespmem:s21+$0x0]  }
0x1b9: {  	s25 =	sadd.s32 $0x2707, s22;
	v7 =	vmul.f32 v9, v7;
	v9 =	vld [tilespmem:s24+$0x10]  }
0x1ba: {  	v12 =	vmov s25;
	v11 =	vld [tilespmem:s21+$0x10]  }
0x1bb: {  	v1 =	vadd.f32 v7, v1;
	v5 =	vmul.f32 v6, v5;
	v6 =	vld [tilespmem:s24+$0x20]  }
0x1bc: {  	v7 =	vld [tilespmem:s21+$0x20];
	v13, _, _ =	vpop (xrf2)  }
0x1bd: {  	v4 =	vadd.f32 v5, v4;
	v5 =	vmul.f32 v10, v8;
	v8 =	vld [tilespmem:s24+$0x30];
	v10 =	vbroadcast v13, $0xF  }
0x1be: {  	v13 =	vld [tilespmem:s21+$0x30]  }
0x1bf: {  	v14 =	vld [tilespmem:s24+$0xFFFFFF00];
	v9 =	vmul.f32 v11, v9;
	[tilespmem:v12+s17+$0x0] =	vst.idx.msk $0x1, v10  }
0x1c0: {  	v10 =	vld [tilespmem:s24+$0xFFFFFF40]  }
0x1c1: {  	v11 =	vld [tilespmem:s21+$0xFFFFFF40];
	v6 =	vmul.f32 v7, v6  }
0x1c2: {  	v7 =	vld [tilespmem:s24+$0xFFFFFF50]  }
0x1c3: {  	v12 =	vld [tilespmem:s21+$0xFFFFFF50];
	v5 =	vadd.f32 v6, v5;
	v6 =	vmul.f32 v13, v8  }
0x1c4: {  	v3 =	vmul.f32 v3, v14;
	v8 =	vld [tilespmem:s24+$0xFFFFFFC0]  }
0x1c5: {  	v13 =	vld [tilespmem:s21+$0xFFFFFFC0];
	v6 =	vadd.f32 v6, v9  }
0x1c6: {  	v2 =	vadd.f32 v2, v3;
	v3 =	vmul.f32 v11, v10;
	v9 =	vld [tilespmem:s24+$0xFFFFFFD0]  }
0x1c7: {  	v10 =	vld [tilespmem:s21+$0xFFFFFFD0]  }
0x1c8: {  	v11 =	vadd.f32 v3, v2;
	v2 =	vmul.f32 v12, v7;
	v3 =	vld [tilespmem:s24+$0x40]  }
0x1c9: {  	v7 =	vld [tilespmem:s21+$0x40]  }
0x1ca: {  	v12 =	vadd.f32 v2, v0;
	v0 =	vmul.f32 v13, v8;
	v8 =	vld [tilespmem:s24+$0x50]  }
0x1cb: {  	v13 =	vld [tilespmem:s21+$0x50]  }
0x1cc: {  	v14 =	vld [tilespmem:s24+$0xFFFFFF60];
	v0 =	vadd.f32 v0, v1;
	v1 =	vmul.f32 v10, v9  }
0x1cd: {  	v9 =	vld [tilespmem:s21+$0xFFFFFF60]  }
0x1ce: {  	v15 =	vld [tilespmem:s24+$0xFFFFFF70];
	v1 =	vadd.f32 v1, v4;
	v2 =	vmul.f32 v7, v3  }
0x1cf: {  	v7 =	vld [tilespmem:s21+$0xFFFFFF70]  }
0x1d0: {  	v16 =	vld [tilespmem:s24+$0xFFFFFFE0];
	v2 =	vadd.f32 v2, v5;
	v3 =	vmul.f32 v13, v8  }
0x1d1: {  	v13 =	vld [tilespmem:s21+$0xFFFFFFE0]  }
0x1d2: {  	v5 =	vmul.f32 v9, v14;
	v4 =	vld [tilespmem:s24+$0xFFFFFFF0];
	v3 =	vadd.f32 v3, v6  }
.Ltmp3:
0x1d3: {  	v6 =	vld [tilespmem:s21+$0xFFFFFFF0];
	(pc) =	sbr.rel @p0 .LBB2_8-.Ltmp3, $4  }
0x1d4: {  	v10 =	vadd.f32 v5, v11;
	v7 =	vmul.f32 v7, v15;
	v5 =	vld [tilespmem:s24+$0x60]  }
0x1d5: {  	v8 =	vld [tilespmem:s21+$0x60]  }
0x1d6: {  	v12 =	vadd.f32 v7, v12;
	v11 =	vmul.f32 v13, v16;
	v7 =	vld [tilespmem:s24+$0x70]  }
0x1d7: {  	s24 =	sadd.s32 $0x200, s24;
	v9 =	vld [tilespmem:s21+$0x70]  }
0x1d8: {  	_ =	sdelay $0x2  }
0x1d9: {  	v4 =	vmul.f32 v6, v4  }
0x1da: {  	v55 =	vadd.f32 v12, v10;
	v5 =	vmul.f32 v8, v5;
	v7 =	vmul.f32 v9, v7  }
0x1db: {  	v0 =	vadd.f32 v11, v0;
	v1 =	vadd.f32 v4, v1  }
0x1dc: {  	v2 =	vadd.f32 v5, v2;
	v3 =	vadd.f32 v7, v3  }
0x1dd: {  	v0 =	vadd.f32 v1, v0  }
0x1de: {  	(xrf2) =	vadd.scan.msk.f32 $0xffff, v55;
	v56 =	vadd.f32 v3, v2  }
0x1df: {  	(xrf2) =	vadd.scan.msk.f32 $0xffff, v0  }
0x1e0: {  	(xrf2) =	vadd.scan.msk.f32 $0xffff, v56;
	_ =	sdelay $0x1  }
0x1e1: {  	s21 =	sadd.s32 $0x2704, s22  }
0x1e2: {  	s30 =	sadd.s32 $0x2705, s22;
	v57 =	vmov s21  }
0x1e3: {  	s31 =	sadd.s32 $0x2706, s22;
	v58 =	vmov s30;
	v0 =	vand.u32 $0xFFFFFFFC, v57  }
0x1e4: {  	v59 =	vmov s31;
	v1 =	vand.u32 $0xFFFFFFFD, v58;
	v0 =	vbroadcast v0, $0x0  }
0x1e5: {  	v1 =	vbroadcast v1, $0x0;
	v2 =	vand.u32 $0xFFFFFFFE, v59  }
0x1e6: {  	v2 =	vbroadcast v2, $0x0  }
0x1e7: {  	v60, _, _ =	vpop (xrf2)  }
0x1e8: {  	v3 =	vbroadcast v60, $0xF;
	v61, _, _ =	vpop (xrf2)  }
0x1e9: {  	v4 =	vbroadcast v61, $0xF;
	v62, _, _ =	vpop (xrf2)  }
0x1ea: {  	s20 =	sadd.s32 $0x1, s20;
	[tilespmem:v0+s17+$0x0] =	vst.idx.msk $0x1, v3;
	v63 =	vbroadcast v62, $0xF  }
0x1eb: {  	p0 =	sne.s32 s20, s7;
	[tilespmem:v1+s17+$0x0] =	vst.idx.msk $0x1, v4  }
.Ltmp4:
0x1ec: {  	[tilespmem:v2+s17+$0x0] =	vst.idx.msk $0x1, v63;
	(pc) =	sbr.rel @p0 .LBB2_1-.Ltmp4, $4  }
0x1ed: {  	[hbm4b:s6+s3] =	stream.linear.scatter [tilespmem:s17], [sflag:$0x5], $0x2710, $0x38;
	[tilespmem:$0x17680] =	vst v63  }
0x1ee: {  	_ =	swait.ge [sflag:s8], $0x2710  }
0x1ef: {  	[sflag:s8] =	ssyncset.done $0x0  }
0x1f0: {  	[sflag:s8] =	ssyncadd.s32 $0xFFFFD8F0  }
0x1f1: {  	_ =	sfence.sel $0x180000  }
0x1f2: {  	[bflag:$0x0] =	sbarrier.arrive $0xFFFF  }
0x1f3: {  	p0 =	sne.s32 s0, $0x0;
	_ =	strace $0x90000047  }
0x1f4: {  	s0 =	sadd.s32 @!p0 $0x100000, s2;
	[bflag:$0x2] =	sbarrier.arrive $0xFFFF  }
0x1f5: {  	[sflag:s0] =	ssyncadd.tile.s32 @!p0 $0x1;
	_ =	shalt  }
.Lfunc_end2:
_tile_overlayer_lowered:
.L_overlay_start_2:
0x1f6: {  	(tag) =	ssettag $0x2  }
0x1f7: {  	s0 =	rddreg [dreg:$0x0];
	s2 =	stileid.u32  }
0x1f8: {  	s1 =	rddreg [dreg:$0x1];
	p0 =	sne.s32 s2, $0x0  }
0x1f9: {  	s3 =	rddreg [dreg:$0x2];
	[bflag:$0x3] =	sbarrier.arrive $0xFFFF;
	s2 =	simm.s32 @!p0 $0x1C05  }
0x1fa: {  	[timem:s3], [sflag:s2] =	dma.local @!p0 [hbm:s0], s1  }
0x1fb: {  	s0 =	simm.s32 @!p0 $0x5  }
0x1fc: {  	_ =	swait.ge @!p0 [sflag:s0], s1  }
0x1fd: {  	s1 =	ssub.s32 @!p0 $0x0, s1;
	[sflag:s0] =	ssyncset.done @!p0 $0x0  }
0x1fe: {  	[sflag:s0] =	ssyncadd.s32 @!p0 s1  }
0x1ff: {  	[bflag:$0x3] =	sbarrier.arrive $0xFFFF  }
0x200: {  	_ =	shalt  }

</sc_bundles>
